<compile_context>
chip_gen: v7x
topology: tpu7x:2x2x1
jax: 0.10.2.dev20260603
libtpu: 0.0.44.dev20260713+nightly
codegen_flags: <defaults>
</compile_context>

<pallas_src>
import functools

import jax
import jax.numpy as jnp
from jax import lax
from jax.experimental import pallas as pl
from jax.experimental.pallas import tpu as pltpu
from jax.experimental.pallas import tpu_sc as plsc

N_VOCAB = 1000000
D_EMB = 32
N_I = 4096
N_J = 200

_info = plsc.get_sparse_core_info()
NC = _info.num_cores
NS = _info.num_subcores
NW = NC * NS

LANE = 16

N_TCOL = 7813
TCOL_MAIN = N_TCOL // NW
SCRATCH_ROWS = N_TCOL * 128
A_NBUF = 4
A_NRB = 2


def _iota16():
    return lax.iota(jnp.int32, LANE)


def _reformat_kernel(tt_hbm, scr_hbm, in0, in1, in2, in3, rb0, rb1,
                     g0, g1, g2, g3, s0, s1):
    wid = lax.axis_index("s") * NC + lax.axis_index("c")
    in_v = [in0, in1, in2, in3]
    rb_v = [rb0, rb1]
    gsems = [g0, g1, g2, g3]
    ssems = [s0, s1]

    def fire_in(c, b):
        pltpu.async_copy(
            tt_hbm.at[:, pl.ds(c * 128, 128)], in_v[b], gsems[b]
        )

    def wait_in(c, b):
        pltpu.make_async_copy(
            tt_hbm.at[:, pl.ds(c * 128, 128)], in_v[b], gsems[b]
        ).wait()

    def fire_out(c, rb):
        pltpu.async_copy(
            rb_v[rb], scr_hbm.at[pl.ds(c * 4096, 4096)], ssems[rb]
        )

    def wait_out(c, rb):
        pltpu.make_async_copy(
            rb_v[rb], scr_hbm.at[pl.ds(c * 4096, 4096)], ssems[rb]
        ).wait()

    l_idx = [_iota16() + l0 * 16 for l0 in range(8)]
    l32 = [(_iota16() + l0 * 16) * 32 for l0 in range(8)]

    def transpose(b, rb):
        @plsc.parallel_loop(0, 32, unroll=4)
        def _t(d0):
            dmod = (d0 + _iota16()) & 31
            for l0 in range(8):
                x = plsc.load_gather(in_v[b], [dmod, l_idx[l0]])
                plsc.store_scatter(rb_v[rb], [l32[l0] + dmod], x)

    def col(k):
        return wid + k * NW

    LA = 2
    for k in range(LA):
        fire_in(col(k), k % A_NBUF)

    @pl.loop(0, TCOL_MAIN, step=A_NBUF)
    def _main(kb):
        for b in range(A_NBUF):
            k = kb + b
            wait_in(col(k), b)

            @pl.when(k + LA < TCOL_MAIN)
            def _():
                fire_in(col(k + LA), (b + LA) % A_NBUF)

            rb = b % A_NRB

            @pl.when(k >= A_NRB)
            def _():
                wait_out(col(k - A_NRB), rb)

            transpose(b, rb)
            fire_out(col(k), rb)

    for k in range(TCOL_MAIN - A_NRB, TCOL_MAIN):
        wait_out(col(k), (k % A_NBUF) % A_NRB)

    @pl.when(wid < N_TCOL - TCOL_MAIN * NW)
    def _rem():
        k = TCOL_MAIN
        b = k % A_NBUF
        rb = b % A_NRB
        fire_in(col(k), b)
        wait_in(col(k), b)
        transpose(b, rb)
        fire_out(col(k), rb)
        wait_out(col(k), rb)


@jax.jit
def _reformat(tt):
    mesh = plsc.VectorSubcoreMesh(core_axis_name="c", subcore_axis_name="s")
    run = functools.partial(
        pl.kernel,
        out_type=jax.ShapeDtypeStruct((SCRATCH_ROWS * D_EMB,), jnp.float32),
        mesh=mesh,
        scratch_types=(
            [pltpu.VMEM((32, 128), jnp.float32)] * A_NBUF
            + [pltpu.VMEM((4096,), jnp.float32)] * A_NRB
            + [pltpu.SemaphoreType.DMA] * (A_NBUF + A_NRB)
        ),
        compiler_params=pltpu.CompilerParams(
            use_tc_tiling_on_sc=True, needs_layout_passes=False
        ),
    )(_reformat_kernel)
    return run(tt)


R_PER_W = N_I // NW
B_NBUF = 6
B_NT = 2
B_LA = 4


def _gather_kernel(scr_hbm, x4_hbm, o5_hbm, idx_v, rows_v, t_v, gsems, ssems):
    wid = lax.axis_index("s") * NC + lax.axis_index("c")

    pltpu.sync_copy(x4_hbm.at[:, wid], idx_v)

    def fire_g(j, b):
        jt, js = j // 8, j % 8
        pltpu.async_copy(
            scr_hbm.at[idx_v.at[jt, js]], rows_v.at[b], gsems.at[b]
        )

    def wait_g(j, b):
        jt, js = j // 8, j % 8
        pltpu.make_async_copy(
            scr_hbm.at[idx_v.at[jt, js]], rows_v.at[b], gsems.at[b]
        ).wait()

    def fire_s(j, tb):
        pltpu.async_copy(
            t_v.at[tb], o5_hbm.at[j, :, wid], ssems.at[tb]
        )

    def wait_s(j, tb):
        pltpu.make_async_copy(
            t_v.at[tb], o5_hbm.at[j, :, wid], ssems.at[tb]
        ).wait()

    l_idx = [_iota16() + l0 * 16 for l0 in range(8)]

    def transpose(b, tb):
        @plsc.parallel_loop(0, 32, unroll=4)
        def _t(d0):
            dmod = (d0 + _iota16()) & 31
            dt_idx = dmod >> 3
            mbase = (dmod & 7) * 128
            for l0 in range(8):
                x = plsc.load_gather(rows_v.at[b], [l_idx[l0], dmod])
                plsc.store_scatter(
                    t_v.at[tb], [dt_idx, mbase + l_idx[l0]], x
                )

    for j in range(B_LA):
        fire_g(j, j % B_NBUF)

    @pl.loop(0, N_J - 2, step=B_NBUF)
    def _main(jb):
        for b in range(B_NBUF):
            j = jb + b
            wait_g(j, b)

            @pl.when(j + B_LA < N_J)
            def _():
                fire_g(j + B_LA, (b + B_LA) % B_NBUF)

            tb = b % B_NT

            @pl.when(j >= B_NT)
            def _():
                wait_s(j - B_NT, tb)

            transpose(b, tb)
            fire_s(j, tb)

    for j in range(N_J - 2, N_J):
        b = j % B_NBUF
        tb = b % B_NT
        wait_g(j, b)
        wait_s(j - B_NT, tb)
        transpose(b, tb)
        fire_s(j, tb)

    for j in range(N_J - B_NT, N_J):
        wait_s(j, (j % B_NBUF) % B_NT)


@jax.jit
def _emb(x, table):
    tt = table.T
    scratch = _reformat(tt)
    x4 = x.astype(jnp.int32).T.reshape(25, 8, 32, 128).transpose(0, 2, 1, 3)
    mesh = plsc.VectorSubcoreMesh(core_axis_name="c", subcore_axis_name="s")
    run = functools.partial(
        pl.kernel,
        out_type=jax.ShapeDtypeStruct((N_J, 4, NW, 1024), jnp.float32),
        mesh=mesh,
        scratch_types=[
            pltpu.VMEM((25, 8, 128), jnp.int32),
            pltpu.VMEM((B_NBUF, 128, 32), jnp.float32),
            pltpu.VMEM((B_NT, 4, 1024), jnp.float32),
            pltpu.SemaphoreType.DMA((B_NBUF,)),
            pltpu.SemaphoreType.DMA((B_NT,)),
        ],
        compiler_params=pltpu.CompilerParams(
            use_tc_tiling_on_sc=False, needs_layout_passes=False
        ),
    )(_gather_kernel)
    o5 = run(scratch.reshape(SCRATCH_ROWS, D_EMB), x4)
    o6 = o5.reshape(N_J, 4, NW, 8, 128)
    return o6.transpose(2, 4, 0, 1, 3).reshape(N_I, N_J, D_EMB)


def kernel(x, table):
    return _emb(x, table)

# --- scband reference (transcript-rebuilt; emitter-appended) ---
"""Pipeline reference for scband-input-embedding-82343112999638 (READ-ONLY COPY).

The authoritative reference and input builder live on the scoring server;
editing this copy changes nothing except your own understanding.
"""

import jax, jax.numpy as jnp
import numpy as np

N_VOCAB = 1000000
D_EMB = 32

def setup_inputs(seed: int = 0) -> dict:
    key = jax.random.key(seed)
    k1, k2 = jax.random.split(key)
    x = jax.random.randint(k1, (4096, 200), 0, N_VOCAB, dtype=jnp.int64)
    table = jax.random.normal(k2, (N_VOCAB, D_EMB), dtype=jnp.float32)
    return {"x": x, "table": table}

def reference(x, table):
    # nn.Embedding forward: gather rows of the embedding table
    return jnp.take(table, x, axis=0)

if __name__ == "__main__":
    import jax
    _d = setup_inputs()
    print(jax.jit(kernel)(*tuple(_d.values())))

</pallas_src>

<mosaic_0001>
#map = affine_map<(d0, d1) -> (0, 0)>
#map1 = affine_map<(d0, d1) -> (0)>
module attributes {stable_mosaic.version = 14 : i64} {
  func.func @_reformat_kernel(%arg0: i32, %arg1: i32, %arg2: memref<32x1000000xf32, #tpu.memory_space<hbm>>, %arg3: memref<32002048xf32, #tpu.memory_space<hbm>>, %arg4: memref<32x128xf32, #tpu.memory_space<vmem>>, %arg5: memref<32x128xf32, #tpu.memory_space<vmem>>, %arg6: memref<32x128xf32, #tpu.memory_space<vmem>>, %arg7: memref<32x128xf32, #tpu.memory_space<vmem>>, %arg8: memref<4096xf32, #tpu.memory_space<vmem>>, %arg9: memref<4096xf32, #tpu.memory_space<vmem>>, %arg10: memref<!tpu.dma_semaphore, #tpu.memory_space<semaphore_mem>>, %arg11: memref<!tpu.dma_semaphore, #tpu.memory_space<semaphore_mem>>, %arg12: memref<!tpu.dma_semaphore, #tpu.memory_space<semaphore_mem>>, %arg13: memref<!tpu.dma_semaphore, #tpu.memory_space<semaphore_mem>>, %arg14: memref<!tpu.dma_semaphore, #tpu.memory_space<semaphore_mem>>, %arg15: memref<!tpu.dma_semaphore, #tpu.memory_space<semaphore_mem>>) attributes {dimension_semantics = [#tpu.dimension_semantics<core_parallel>, #tpu.dimension_semantics<subcore_parallel>], iteration_bounds = array<i64: 2, 16>, scalar_prefetch = 0 : i64, scratch_operands = 12 : i64, tpu.core_type = #tpu.core_type<sc_vector_subcore>, window_params = [{transform_indices = #map}, {transform_indices = #map1}]} {
    %mul3A = arith.constant 2 : i32
    %mul3A_0 = arith.muli %arg1, %mul3A : i32
    %add3A = arith.addi %mul3A_0, %arg0 : i32
    %iota3A = tpu.iota {dimensions = array<i32: 0>} : vector<16xi32>
    %add3A_1 = arith.constant 0 : i32
    %add3A_2 = vector.broadcast %add3A_1 : i32 to vector<16xi32>
    %add3A_3 = arith.addi %iota3A, %add3A_2 : vector<16xi32>
    %iota3A_4 = tpu.iota {dimensions = array<i32: 0>} : vector<16xi32>
    %add3A_5 = arith.constant 16 : i32
    %add3A_6 = vector.broadcast %add3A_5 : i32 to vector<16xi32>
    %add3A_7 = arith.addi %iota3A_4, %add3A_6 : vector<16xi32>
    %iota3A_8 = tpu.iota {dimensions = array<i32: 0>} : vector<16xi32>
    %add3A_9 = arith.constant 32 : i32
    %add3A_10 = vector.broadcast %add3A_9 : i32 to vector<16xi32>
    %add3A_11 = arith.addi %iota3A_8, %add3A_10 : vector<16xi32>
    %iota3A_12 = tpu.iota {dimensions = array<i32: 0>} : vector<16xi32>
    %add3A_13 = arith.constant 48 : i32
    %add3A_14 = vector.broadcast %add3A_13 : i32 to vector<16xi32>
    %add3A_15 = arith.addi %iota3A_12, %add3A_14 : vector<16xi32>
    %iota3A_16 = tpu.iota {dimensions = array<i32: 0>} : vector<16xi32>
    %add3A_17 = arith.constant 64 : i32
    %add3A_18 = vector.broadcast %add3A_17 : i32 to vector<16xi32>
    %add3A_19 = arith.addi %iota3A_16, %add3A_18 : vector<16xi32>
    %iota3A_20 = tpu.iota {dimensions = array<i32: 0>} : vector<16xi32>
    %add3A_21 = arith.constant 80 : i32
    %add3A_22 = vector.broadcast %add3A_21 : i32 to vector<16xi32>
    %add3A_23 = arith.addi %iota3A_20, %add3A_22 : vector<16xi32>
    %iota3A_24 = tpu.iota {dimensions = array<i32: 0>} : vector<16xi32>
    %add3A_25 = arith.constant 96 : i32
    %add3A_26 = vector.broadcast %add3A_25 : i32 to vector<16xi32>
    %add3A_27 = arith.addi %iota3A_24, %add3A_26 : vector<16xi32>
    %iota3A_28 = tpu.iota {dimensions = array<i32: 0>} : vector<16xi32>
    %add3A_29 = arith.constant 112 : i32
    %add3A_30 = vector.broadcast %add3A_29 : i32 to vector<16xi32>
    %add3A_31 = arith.addi %iota3A_28, %add3A_30 : vector<16xi32>
    %iota3A_32 = tpu.iota {dimensions = array<i32: 0>} : vector<16xi32>
    %add3A_33 = arith.constant 0 : i32
    %add3A_34 = vector.broadcast %add3A_33 : i32 to vector<16xi32>
    %add3A_35 = arith.addi %iota3A_32, %add3A_34 : vector<16xi32>
    %mul3A_36 = arith.constant 32 : i32
    %mul3A_37 = vector.broadcast %mul3A_36 : i32 to vector<16xi32>
    %mul3A_38 = arith.muli %add3A_35, %mul3A_37 : vector<16xi32>
    %iota3A_39 = tpu.iota {dimensions = array<i32: 0>} : vector<16xi32>
    %add3A_40 = arith.constant 16 : i32
    %add3A_41 = vector.broadcast %add3A_40 : i32 to vector<16xi32>
    %add3A_42 = arith.addi %iota3A_39, %add3A_41 : vector<16xi32>
    %mul3A_43 = arith.constant 32 : i32
    %mul3A_44 = vector.broadcast %mul3A_43 : i32 to vector<16xi32>
    %mul3A_45 = arith.muli %add3A_42, %mul3A_44 : vector<16xi32>
    %iota3A_46 = tpu.iota {dimensions = array<i32: 0>} : vector<16xi32>
    %add3A_47 = arith.constant 32 : i32
    %add3A_48 = vector.broadcast %add3A_47 : i32 to vector<16xi32>
    %add3A_49 = arith.addi %iota3A_46, %add3A_48 : vector<16xi32>
    %mul3A_50 = arith.constant 32 : i32
    %mul3A_51 = vector.broadcast %mul3A_50 : i32 to vector<16xi32>
    %mul3A_52 = arith.muli %add3A_49, %mul3A_51 : vector<16xi32>
    %iota3A_53 = tpu.iota {dimensions = array<i32: 0>} : vector<16xi32>
    %add3A_54 = arith.constant 48 : i32
    %add3A_55 = vector.broadcast %add3A_54 : i32 to vector<16xi32>
    %add3A_56 = arith.addi %iota3A_53, %add3A_55 : vector<16xi32>
    %mul3A_57 = arith.constant 32 : i32
    %mul3A_58 = vector.broadcast %mul3A_57 : i32 to vector<16xi32>
    %mul3A_59 = arith.muli %add3A_56, %mul3A_58 : vector<16xi32>
    %iota3A_60 = tpu.iota {dimensions = array<i32: 0>} : vector<16xi32>
    %add3A_61 = arith.constant 64 : i32
    %add3A_62 = vector.broadcast %add3A_61 : i32 to vector<16xi32>
    %add3A_63 = arith.addi %iota3A_60, %add3A_62 : vector<16xi32>
    %mul3A_64 = arith.constant 32 : i32
    %mul3A_65 = vector.broadcast %mul3A_64 : i32 to vector<16xi32>
    %mul3A_66 = arith.muli %add3A_63, %mul3A_65 : vector<16xi32>
    %iota3A_67 = tpu.iota {dimensions = array<i32: 0>} : vector<16xi32>
    %add3A_68 = arith.constant 80 : i32
    %add3A_69 = vector.broadcast %add3A_68 : i32 to vector<16xi32>
    %add3A_70 = arith.addi %iota3A_67, %add3A_69 : vector<16xi32>
    %mul3A_71 = arith.constant 32 : i32
    %mul3A_72 = vector.broadcast %mul3A_71 : i32 to vector<16xi32>
    %mul3A_73 = arith.muli %add3A_70, %mul3A_72 : vector<16xi32>
    %iota3A_74 = tpu.iota {dimensions = array<i32: 0>} : vector<16xi32>
    %add3A_75 = arith.constant 96 : i32
    %add3A_76 = vector.broadcast %add3A_75 : i32 to vector<16xi32>
    %add3A_77 = arith.addi %iota3A_74, %add3A_76 : vector<16xi32>
    %mul3A_78 = arith.constant 32 : i32
    %mul3A_79 = vector.broadcast %mul3A_78 : i32 to vector<16xi32>
    %mul3A_80 = arith.muli %add3A_77, %mul3A_79 : vector<16xi32>
    %iota3A_81 = tpu.iota {dimensions = array<i32: 0>} : vector<16xi32>
    %add3A_82 = arith.constant 112 : i32
    %add3A_83 = vector.broadcast %add3A_82 : i32 to vector<16xi32>
    %add3A_84 = arith.addi %iota3A_81, %add3A_83 : vector<16xi32>
    %mul3A_85 = arith.constant 32 : i32
    %mul3A_86 = vector.broadcast %mul3A_85 : i32 to vector<16xi32>
    %mul3A_87 = arith.muli %add3A_84, %mul3A_86 : vector<16xi32>
    %add3A_88 = arith.constant 0 : i32
    %add3A_89 = arith.addi %add3A, %add3A_88 : i32
    %mul3A_90 = arith.constant 128 : i32
    %mul3A_91 = arith.muli %add3A_89, %mul3A_90 : i32
    %dma_start3A = arith.constant 0 : i32
    %dma_start3A_92 = tpu.memref_slice %arg2[%dma_start3A, %mul3A_91] : memref<32x1000000xf32, #tpu.memory_space<hbm>> -> memref<32x128xf32, #tpu.memory_space<hbm>>
    %dma_start3A_93 = arith.constant 0 : i32
    %dma_start3A_94 = tpu.memref_slice %arg2[%dma_start3A_93, %mul3A_91] : memref<32x1000000xf32, #tpu.memory_space<hbm>> -> memref<32x128xf32, #tpu.memory_space<hbm>>
    tpu.enqueue_dma source(%dma_start3A_94 : memref<32x128xf32, #tpu.memory_space<hbm>>) target(%arg4 : memref<32x128xf32, #tpu.memory_space<vmem>>) target_semaphore(%arg10 : memref<!tpu.dma_semaphore, #tpu.memory_space<semaphore_mem>>)
    %add3A_95 = arith.constant 32 : i32
    %add3A_96 = arith.addi %add3A, %add3A_95 : i32
    %mul3A_97 = arith.constant 128 : i32
    %mul3A_98 = arith.muli %add3A_96, %mul3A_97 : i32
    %dma_start3A_99 = arith.constant 0 : i32
    %dma_start3A_100 = tpu.memref_slice %arg2[%dma_start3A_99, %mul3A_98] : memref<32x1000000xf32, #tpu.memory_space<hbm>> -> memref<32x128xf32, #tpu.memory_space<hbm>>
    %dma_start3A_101 = arith.constant 0 : i32
    %dma_start3A_102 = tpu.memref_slice %arg2[%dma_start3A_101, %mul3A_98] : memref<32x1000000xf32, #tpu.memory_space<hbm>> -> memref<32x128xf32, #tpu.memory_space<hbm>>
    tpu.enqueue_dma source(%dma_start3A_102 : memref<32x128xf32, #tpu.memory_space<hbm>>) target(%arg5 : memref<32x128xf32, #tpu.memory_space<vmem>>) target_semaphore(%arg11 : memref<!tpu.dma_semaphore, #tpu.memory_space<semaphore_mem>>)
    %scan3A = arith.constant 0 : i32
    %scan3A_103 = arith.constant 61 : i32
    %scan3A_104 = arith.addi %scan3A, %scan3A_103 : i32
    %scan3A_105 = arith.constant 1 : i32
    scf.for %scan3A_120 = %scan3A to %scan3A_104 step %scan3A_105  : i32 {
      %mul3A_121 = arith.constant 4 : i32
      %mul3A_122 = arith.muli %scan3A_120, %mul3A_121 : i32
      %add3A_123 = arith.constant 0 : i32
      %add3A_124 = arith.addi %add3A_123, %mul3A_122 : i32
      %add3A_125 = arith.constant 0 : i32
      %add3A_126 = arith.addi %add3A_124, %add3A_125 : i32
      %mul3A_127 = arith.constant 32 : i32
      %mul3A_128 = arith.muli %add3A_126, %mul3A_127 : i32
      %add3A_129 = arith.addi %add3A, %mul3A_128 : i32
      %mul3A_130 = arith.constant 128 : i32
      %mul3A_131 = arith.muli %add3A_129, %mul3A_130 : i32
      %dma_wait3A_132 = arith.constant 0 : i32
      %dma_wait3A_133 = tpu.memref_slice %arg2[%dma_wait3A_132, %mul3A_131] : memref<32x1000000xf32, #tpu.memory_space<hbm>> -> memref<32x128xf32, #tpu.memory_space<hbm>>
      %dma_wait3A_134 = arith.constant 0 : i32
      %dma_wait3A_135 = tpu.memref_slice %arg2[%dma_wait3A_134, %mul3A_131] : memref<32x1000000xf32, #tpu.memory_space<hbm>> -> memref<32x128xf32, #tpu.memory_space<hbm>>
      tpu.wait_dma2 semaphore(%arg10 : memref<!tpu.dma_semaphore, #tpu.memory_space<semaphore_mem>>) src(%dma_wait3A_135 : memref<32x128xf32, #tpu.memory_space<hbm>>) dst(%arg4 : memref<32x128xf32, #tpu.memory_space<vmem>>)
      %add3A_136 = arith.constant 2 : i32
      %add3A_137 = arith.addi %add3A_126, %add3A_136 : i32
      %lt3A_138 = arith.constant 244 : i32
      %lt3A_139 = arith.cmpi slt, %add3A_137, %lt3A_138 : i32
      %convert_element_type3A_140 = arith.extui %lt3A_139 : i1 to i32
      %cond3A_141 = arith.constant 0 : i32
      %cond3A_142 = arith.cmpi ne, %convert_element_type3A_140, %cond3A_141 : i32
      scf.if %cond3A_142 {
        %add3A_255 = arith.constant 2 : i32
        %add3A_256 = arith.addi %add3A_126, %add3A_255 : i32
        %mul3A_257 = arith.constant 32 : i32
        %mul3A_258 = arith.muli %add3A_256, %mul3A_257 : i32
        %add3A_259 = arith.addi %add3A, %mul3A_258 : i32
        %mul3A_260 = arith.constant 128 : i32
        %mul3A_261 = arith.muli %add3A_259, %mul3A_260 : i32
        %dma_start3A_262 = arith.constant 0 : i32
        %dma_start3A_263 = tpu.memref_slice %arg2[%dma_start3A_262, %mul3A_261] : memref<32x1000000xf32, #tpu.memory_space<hbm>> -> memref<32x128xf32, #tpu.memory_space<hbm>>
        %dma_start3A_264 = arith.constant 0 : i32
        %dma_start3A_265 = tpu.memref_slice %arg2[%dma_start3A_264, %mul3A_261] : memref<32x1000000xf32, #tpu.memory_space<hbm>> -> memref<32x128xf32, #tpu.memory_space<hbm>>
        tpu.enqueue_dma source(%dma_start3A_265 : memref<32x128xf32, #tpu.memory_space<hbm>>) target(%arg6 : memref<32x128xf32, #tpu.memory_space<vmem>>) target_semaphore(%arg12 : memref<!tpu.dma_semaphore, #tpu.memory_space<semaphore_mem>>)
      } else {
      }
      %ge3A = arith.constant 2 : i32
      %ge3A_143 = arith.cmpi sge, %add3A_126, %ge3A : i32
      %convert_element_type3A_144 = arith.extui %ge3A_143 : i1 to i32
      %cond3A_145 = arith.constant 0 : i32
      %cond3A_146 = arith.cmpi ne, %convert_element_type3A_144, %cond3A_145 : i32
      scf.if %cond3A_146 {
        %sub3A = arith.constant 2 : i32
        %sub3A_255 = arith.subi %add3A_126, %sub3A : i32
        %mul3A_256 = arith.constant 32 : i32
        %mul3A_257 = arith.muli %sub3A_255, %mul3A_256 : i32
        %add3A_258 = arith.addi %add3A, %mul3A_257 : i32
        %mul3A_259 = arith.constant 4096 : i32
        %mul3A_260 = arith.muli %add3A_258, %mul3A_259 : i32
        %dma_wait3A_261 = tpu.memref_slice %arg3[%mul3A_260] : memref<32002048xf32, #tpu.memory_space<hbm>> -> memref<4096xf32, #tpu.memory_space<hbm>>
        %dma_wait3A_262 = tpu.memref_slice %arg3[%mul3A_260] : memref<32002048xf32, #tpu.memory_space<hbm>> -> memref<4096xf32, #tpu.memory_space<hbm>>
        tpu.wait_dma2 semaphore(%arg14 : memref<!tpu.dma_semaphore, #tpu.memory_space<semaphore_mem>>) src(%arg8 : memref<4096xf32, #tpu.memory_space<vmem>>) dst(%dma_wait3A_262 : memref<4096xf32, #tpu.memory_space<hbm>>)
      } else {
      }
      %parallel_loop3A = arith.constant 0 : i32
      %parallel_loop3A_147 = arith.constant 32 : i32
      %parallel_loop3A_148 = arith.constant 1 : i32
      scf.for %parallel_loop3A_255 = %parallel_loop3A to %parallel_loop3A_147 step %parallel_loop3A_148  : i32 {
        %parallel_loop3A_256 = tpu.iota {dimensions = array<i32: 0>} : vector<16xi32>
        %parallel_loop3A_257 = vector.broadcast %parallel_loop3A_255 : i32 to vector<16xi32>
        %parallel_loop3A_258 = arith.addi %parallel_loop3A_257, %parallel_loop3A_256 : vector<16xi32>
        %parallel_loop3A_259 = arith.constant 31 : i32
        %parallel_loop3A_260 = vector.broadcast %parallel_loop3A_259 : i32 to vector<16xi32>
        %parallel_loop3A_261 = arith.andi %parallel_loop3A_258, %parallel_loop3A_260 : vector<16xi32>
        %parallel_loop3A_262 = tpu.vector_load_idx %arg4[%parallel_loop3A_261, %add3A_3] : memref<32x128xf32, #tpu.memory_space<vmem>>[vector<16xi32>, vector<16xi32>], vector<16xf32>,
        %parallel_loop3A_263 = arith.addi %mul3A_38, %parallel_loop3A_261 : vector<16xi32>
        tpu.vector_store_idx %arg8[%parallel_loop3A_263], %parallel_loop3A_262 : memref<4096xf32, #tpu.memory_space<vmem>>[vector<16xi32>], vector<16xf32>,
        %parallel_loop3A_264 = tpu.vector_load_idx %arg4[%parallel_loop3A_261, %add3A_7] : memref<32x128xf32, #tpu.memory_space<vmem>>[vector<16xi32>, vector<16xi32>], vector<16xf32>,
        %parallel_loop3A_265 = arith.addi %mul3A_45, %parallel_loop3A_261 : vector<16xi32>
        tpu.vector_store_idx %arg8[%parallel_loop3A_265], %parallel_loop3A_264 : memref<4096xf32, #tpu.memory_space<vmem>>[vector<16xi32>], vector<16xf32>,
        %parallel_loop3A_266 = tpu.vector_load_idx %arg4[%parallel_loop3A_261, %add3A_11] : memref<32x128xf32, #tpu.memory_space<vmem>>[vector<16xi32>, vector<16xi32>], vector<16xf32>,
        %parallel_loop3A_267 = arith.addi %mul3A_52, %parallel_loop3A_261 : vector<16xi32>
        tpu.vector_store_idx %arg8[%parallel_loop3A_267], %parallel_loop3A_266 : memref<4096xf32, #tpu.memory_space<vmem>>[vector<16xi32>], vector<16xf32>,
        %parallel_loop3A_268 = tpu.vector_load_idx %arg4[%parallel_loop3A_261, %add3A_15] : memref<32x128xf32, #tpu.memory_space<vmem>>[vector<16xi32>, vector<16xi32>], vector<16xf32>,
        %parallel_loop3A_269 = arith.addi %mul3A_59, %parallel_loop3A_261 : vector<16xi32>
        tpu.vector_store_idx %arg8[%parallel_loop3A_269], %parallel_loop3A_268 : memref<4096xf32, #tpu.memory_space<vmem>>[vector<16xi32>], vector<16xf32>,
        %parallel_loop3A_270 = tpu.vector_load_idx %arg4[%parallel_loop3A_261, %add3A_19] : memref<32x128xf32, #tpu.memory_space<vmem>>[vector<16xi32>, vector<16xi32>], vector<16xf32>,
        %parallel_loop3A_271 = arith.addi %mul3A_66, %parallel_loop3A_261 : vector<16xi32>
        tpu.vector_store_idx %arg8[%parallel_loop3A_271], %parallel_loop3A_270 : memref<4096xf32, #tpu.memory_space<vmem>>[vector<16xi32>], vector<16xf32>,
        %parallel_loop3A_272 = tpu.vector_load_idx %arg4[%parallel_loop3A_261, %add3A_23] : memref<32x128xf32, #tpu.memory_space<vmem>>[vector<16xi32>, vector<16xi32>], vector<16xf32>,
        %parallel_loop3A_273 = arith.addi %mul3A_73, %parallel_loop3A_261 : vector<16xi32>
        tpu.vector_store_idx %arg8[%parallel_loop3A_273], %parallel_loop3A_272 : memref<4096xf32, #tpu.memory_space<vmem>>[vector<16xi32>], vector<16xf32>,
        %parallel_loop3A_274 = tpu.vector_load_idx %arg4[%parallel_loop3A_261, %add3A_27] : memref<32x128xf32, #tpu.memory_space<vmem>>[vector<16xi32>, vector<16xi32>], vector<16xf32>,
        %parallel_loop3A_275 = arith.addi %mul3A_80, %parallel_loop3A_261 : vector<16xi32>
        tpu.vector_store_idx %arg8[%parallel_loop3A_275], %parallel_loop3A_274 : memref<4096xf32, #tpu.memory_space<vmem>>[vector<16xi32>], vector<16xf32>,
        %parallel_loop3A_276 = tpu.vector_load_idx %arg4[%parallel_loop3A_261, %add3A_31] : memref<32x128xf32, #tpu.memory_space<vmem>>[vector<16xi32>, vector<16xi32>], vector<16xf32>,
        %parallel_loop3A_277 = arith.addi %mul3A_87, %parallel_loop3A_261 : vector<16xi32>
        tpu.vector_store_idx %arg8[%parallel_loop3A_277], %parallel_loop3A_276 : memref<4096xf32, #tpu.memory_space<vmem>>[vector<16xi32>], vector<16xf32>,
      } {sc.loop_unroll_factor = 4 : i64, sc.parallel_access}
      %mul3A_149 = arith.constant 32 : i32
      %mul3A_150 = arith.muli %add3A_126, %mul3A_149 : i32
      %add3A_151 = arith.addi %add3A, %mul3A_150 : i32
      %mul3A_152 = arith.constant 4096 : i32
      %mul3A_153 = arith.muli %add3A_151, %mul3A_152 : i32
      %dma_start3A_154 = tpu.memref_slice %arg3[%mul3A_153] : memref<32002048xf32, #tpu.memory_space<hbm>> -> memref<4096xf32, #tpu.memory_space<hbm>>
      %dma_start3A_155 = tpu.memref_slice %arg3[%mul3A_153] : memref<32002048xf32, #tpu.memory_space<hbm>> -> memref<4096xf32, #tpu.memory_space<hbm>>
      tpu.enqueue_dma source(%arg8 : memref<4096xf32, #tpu.memory_space<vmem>>) target(%dma_start3A_155 : memref<4096xf32, #tpu.memory_space<hbm>>) target_semaphore(%arg14 : memref<!tpu.dma_semaphore, #tpu.memory_space<semaphore_mem>>)
      %add3A_156 = arith.constant 1 : i32
      %add3A_157 = arith.addi %add3A_124, %add3A_156 : i32
      %mul3A_158 = arith.constant 32 : i32
      %mul3A_159 = arith.muli %add3A_157, %mul3A_158 : i32
      %add3A_160 = arith.addi %add3A, %mul3A_159 : i32
      %mul3A_161 = arith.constant 128 : i32
      %mul3A_162 = arith.muli %add3A_160, %mul3A_161 : i32
      %dma_wait3A_163 = arith.constant 0 : i32
      %dma_wait3A_164 = tpu.memref_slice %arg2[%dma_wait3A_163, %mul3A_162] : memref<32x1000000xf32, #tpu.memory_space<hbm>> -> memref<32x128xf32, #tpu.memory_space<hbm>>
      %dma_wait3A_165 = arith.constant 0 : i32
      %dma_wait3A_166 = tpu.memref_slice %arg2[%dma_wait3A_165, %mul3A_162] : memref<32x1000000xf32, #tpu.memory_space<hbm>> -> memref<32x128xf32, #tpu.memory_space<hbm>>
      tpu.wait_dma2 semaphore(%arg11 : memref<!tpu.dma_semaphore, #tpu.memory_space<semaphore_mem>>) src(%dma_wait3A_166 : memref<32x128xf32, #tpu.memory_space<hbm>>) dst(%arg5 : memref<32x128xf32, #tpu.memory_space<vmem>>)
      %add3A_167 = arith.constant 2 : i32
      %add3A_168 = arith.addi %add3A_157, %add3A_167 : i32
      %lt3A_169 = arith.constant 244 : i32
      %lt3A_170 = arith.cmpi slt, %add3A_168, %lt3A_169 : i32
      %convert_element_type3A_171 = arith.extui %lt3A_170 : i1 to i32
      %cond3A_172 = arith.constant 0 : i32
      %cond3A_173 = arith.cmpi ne, %convert_element_type3A_171, %cond3A_172 : i32
      scf.if %cond3A_173 {
        %add3A_255 = arith.constant 2 : i32
        %add3A_256 = arith.addi %add3A_157, %add3A_255 : i32
        %mul3A_257 = arith.constant 32 : i32
        %mul3A_258 = arith.muli %add3A_256, %mul3A_257 : i32
        %add3A_259 = arith.addi %add3A, %mul3A_258 : i32
        %mul3A_260 = arith.constant 128 : i32
        %mul3A_261 = arith.muli %add3A_259, %mul3A_260 : i32
        %dma_start3A_262 = arith.constant 0 : i32
        %dma_start3A_263 = tpu.memref_slice %arg2[%dma_start3A_262, %mul3A_261] : memref<32x1000000xf32, #tpu.memory_space<hbm>> -> memref<32x128xf32, #tpu.memory_space<hbm>>
        %dma_start3A_264 = arith.constant 0 : i32
        %dma_start3A_265 = tpu.memref_slice %arg2[%dma_start3A_264, %mul3A_261] : memref<32x1000000xf32, #tpu.memory_space<hbm>> -> memref<32x128xf32, #tpu.memory_space<hbm>>
        tpu.enqueue_dma source(%dma_start3A_265 : memref<32x128xf32, #tpu.memory_space<hbm>>) target(%arg7 : memref<32x128xf32, #tpu.memory_space<vmem>>) target_semaphore(%arg13 : memref<!tpu.dma_semaphore, #tpu.memory_space<semaphore_mem>>)
      } else {
      }
      %ge3A_174 = arith.constant 2 : i32
      %ge3A_175 = arith.cmpi sge, %add3A_157, %ge3A_174 : i32
      %convert_element_type3A_176 = arith.extui %ge3A_175 : i1 to i32
      %cond3A_177 = arith.constant 0 : i32
      %cond3A_178 = arith.cmpi ne, %convert_element_type3A_176, %cond3A_177 : i32
      scf.if %cond3A_178 {
        %sub3A = arith.constant 2 : i32
        %sub3A_255 = arith.subi %add3A_157, %sub3A : i32
        %mul3A_256 = arith.constant 32 : i32
        %mul3A_257 = arith.muli %sub3A_255, %mul3A_256 : i32
        %add3A_258 = arith.addi %add3A, %mul3A_257 : i32
        %mul3A_259 = arith.constant 4096 : i32
        %mul3A_260 = arith.muli %add3A_258, %mul3A_259 : i32
        %dma_wait3A_261 = tpu.memref_slice %arg3[%mul3A_260] : memref<32002048xf32, #tpu.memory_space<hbm>> -> memref<4096xf32, #tpu.memory_space<hbm>>
        %dma_wait3A_262 = tpu.memref_slice %arg3[%mul3A_260] : memref<32002048xf32, #tpu.memory_space<hbm>> -> memref<4096xf32, #tpu.memory_space<hbm>>
        tpu.wait_dma2 semaphore(%arg15 : memref<!tpu.dma_semaphore, #tpu.memory_space<semaphore_mem>>) src(%arg9 : memref<4096xf32, #tpu.memory_space<vmem>>) dst(%dma_wait3A_262 : memref<4096xf32, #tpu.memory_space<hbm>>)
      } else {
      }
      %parallel_loop3A_179 = arith.constant 0 : i32
      %parallel_loop3A_180 = arith.constant 32 : i32
      %parallel_loop3A_181 = arith.constant 1 : i32
      scf.for %parallel_loop3A_255 = %parallel_loop3A_179 to %parallel_loop3A_180 step %parallel_loop3A_181  : i32 {
        %parallel_loop3A_256 = tpu.iota {dimensions = array<i32: 0>} : vector<16xi32>
        %parallel_loop3A_257 = vector.broadcast %parallel_loop3A_255 : i32 to vector<16xi32>
        %parallel_loop3A_258 = arith.addi %parallel_loop3A_257, %parallel_loop3A_256 : vector<16xi32>
        %parallel_loop3A_259 = arith.constant 31 : i32
        %parallel_loop3A_260 = vector.broadcast %parallel_loop3A_259 : i32 to vector<16xi32>
        %parallel_loop3A_261 = arith.andi %parallel_loop3A_258, %parallel_loop3A_260 : vector<16xi32>
        %parallel_loop3A_262 = tpu.vector_load_idx %arg5[%parallel_loop3A_261, %add3A_3] : memref<32x128xf32, #tpu.memory_space<vmem>>[vector<16xi32>, vector<16xi32>], vector<16xf32>,
        %parallel_loop3A_263 = arith.addi %mul3A_38, %parallel_loop3A_261 : vector<16xi32>
        tpu.vector_store_idx %arg9[%parallel_loop3A_263], %parallel_loop3A_262 : memref<4096xf32, #tpu.memory_space<vmem>>[vector<16xi32>], vector<16xf32>,
        %parallel_loop3A_264 = tpu.vector_load_idx %arg5[%parallel_loop3A_261, %add3A_7] : memref<32x128xf32, #tpu.memory_space<vmem>>[vector<16xi32>, vector<16xi32>], vector<16xf32>,
        %parallel_loop3A_265 = arith.addi %mul3A_45, %parallel_loop3A_261 : vector<16xi32>
        tpu.vector_store_idx %arg9[%parallel_loop3A_265], %parallel_loop3A_264 : memref<4096xf32, #tpu.memory_space<vmem>>[vector<16xi32>], vector<16xf32>,
        %parallel_loop3A_266 = tpu.vector_load_idx %arg5[%parallel_loop3A_261, %add3A_11] : memref<32x128xf32, #tpu.memory_space<vmem>>[vector<16xi32>, vector<16xi32>], vector<16xf32>,
        %parallel_loop3A_267 = arith.addi %mul3A_52, %parallel_loop3A_261 : vector<16xi32>
        tpu.vector_store_idx %arg9[%parallel_loop3A_267], %parallel_loop3A_266 : memref<4096xf32, #tpu.memory_space<vmem>>[vector<16xi32>], vector<16xf32>,
        %parallel_loop3A_268 = tpu.vector_load_idx %arg5[%parallel_loop3A_261, %add3A_15] : memref<32x128xf32, #tpu.memory_space<vmem>>[vector<16xi32>, vector<16xi32>], vector<16xf32>,
        %parallel_loop3A_269 = arith.addi %mul3A_59, %parallel_loop3A_261 : vector<16xi32>
        tpu.vector_store_idx %arg9[%parallel_loop3A_269], %parallel_loop3A_268 : memref<4096xf32, #tpu.memory_space<vmem>>[vector<16xi32>], vector<16xf32>,
        %parallel_loop3A_270 = tpu.vector_load_idx %arg5[%parallel_loop3A_261, %add3A_19] : memref<32x128xf32, #tpu.memory_space<vmem>>[vector<16xi32>, vector<16xi32>], vector<16xf32>,
        %parallel_loop3A_271 = arith.addi %mul3A_66, %parallel_loop3A_261 : vector<16xi32>
        tpu.vector_store_idx %arg9[%parallel_loop3A_271], %parallel_loop3A_270 : memref<4096xf32, #tpu.memory_space<vmem>>[vector<16xi32>], vector<16xf32>,
        %parallel_loop3A_272 = tpu.vector_load_idx %arg5[%parallel_loop3A_261, %add3A_23] : memref<32x128xf32, #tpu.memory_space<vmem>>[vector<16xi32>, vector<16xi32>], vector<16xf32>,
        %parallel_loop3A_273 = arith.addi %mul3A_73, %parallel_loop3A_261 : vector<16xi32>
        tpu.vector_store_idx %arg9[%parallel_loop3A_273], %parallel_loop3A_272 : memref<4096xf32, #tpu.memory_space<vmem>>[vector<16xi32>], vector<16xf32>,
        %parallel_loop3A_274 = tpu.vector_load_idx %arg5[%parallel_loop3A_261, %add3A_27] : memref<32x128xf32, #tpu.memory_space<vmem>>[vector<16xi32>, vector<16xi32>], vector<16xf32>,
        %parallel_loop3A_275 = arith.addi %mul3A_80, %parallel_loop3A_261 : vector<16xi32>
        tpu.vector_store_idx %arg9[%parallel_loop3A_275], %parallel_loop3A_274 : memref<4096xf32, #tpu.memory_space<vmem>>[vector<16xi32>], vector<16xf32>,
        %parallel_loop3A_276 = tpu.vector_load_idx %arg5[%parallel_loop3A_261, %add3A_31] : memref<32x128xf32, #tpu.memory_space<vmem>>[vector<16xi32>, vector<16xi32>], vector<16xf32>,
        %parallel_loop3A_277 = arith.addi %mul3A_87, %parallel_loop3A_261 : vector<16xi32>
        tpu.vector_store_idx %arg9[%parallel_loop3A_277], %parallel_loop3A_276 : memref<4096xf32, #tpu.memory_space<vmem>>[vector<16xi32>], vector<16xf32>,
      } {sc.loop_unroll_factor = 4 : i64, sc.parallel_access}
      %mul3A_182 = arith.constant 32 : i32
      %mul3A_183 = arith.muli %add3A_157, %mul3A_182 : i32
      %add3A_184 = arith.addi %add3A, %mul3A_183 : i32
      %mul3A_185 = arith.constant 4096 : i32
      %mul3A_186 = arith.muli %add3A_184, %mul3A_185 : i32
      %dma_start3A_187 = tpu.memref_slice %arg3[%mul3A_186] : memref<32002048xf32, #tpu.memory_space<hbm>> -> memref<4096xf32, #tpu.memory_space<hbm>>
      %dma_start3A_188 = tpu.memref_slice %arg3[%mul3A_186] : memref<32002048xf32, #tpu.memory_space<hbm>> -> memref<4096xf32, #tpu.memory_space<hbm>>
      tpu.enqueue_dma source(%arg9 : memref<4096xf32, #tpu.memory_space<vmem>>) target(%dma_start3A_188 : memref<4096xf32, #tpu.memory_space<hbm>>) target_semaphore(%arg15 : memref<!tpu.dma_semaphore, #tpu.memory_space<semaphore_mem>>)
      %add3A_189 = arith.constant 2 : i32
      %add3A_190 = arith.addi %add3A_124, %add3A_189 : i32
      %mul3A_191 = arith.constant 32 : i32
      %mul3A_192 = arith.muli %add3A_190, %mul3A_191 : i32
      %add3A_193 = arith.addi %add3A, %mul3A_192 : i32
      %mul3A_194 = arith.constant 128 : i32
      %mul3A_195 = arith.muli %add3A_193, %mul3A_194 : i32
      %dma_wait3A_196 = arith.constant 0 : i32
      %dma_wait3A_197 = tpu.memref_slice %arg2[%dma_wait3A_196, %mul3A_195] : memref<32x1000000xf32, #tpu.memory_space<hbm>> -> memref<32x128xf32, #tpu.memory_space<hbm>>
      %dma_wait3A_198 = arith.constant 0 : i32
      %dma_wait3A_199 = tpu.memref_slice %arg2[%dma_wait3A_198, %mul3A_195] : memref<32x1000000xf32, #tpu.memory_space<hbm>> -> memref<32x128xf32, #tpu.memory_space<hbm>>
      tpu.wait_dma2 semaphore(%arg12 : memref<!tpu.dma_semaphore, #tpu.memory_space<semaphore_mem>>) src(%dma_wait3A_199 : memref<32x128xf32, #tpu.memory_space<hbm>>) dst(%arg6 : memref<32x128xf32, #tpu.memory_space<vmem>>)
      %add3A_200 = arith.constant 2 : i32
      %add3A_201 = arith.addi %add3A_190, %add3A_200 : i32
      %lt3A_202 = arith.constant 244 : i32
      %lt3A_203 = arith.cmpi slt, %add3A_201, %lt3A_202 : i32
      %convert_element_type3A_204 = arith.extui %lt3A_203 : i1 to i32
      %cond3A_205 = arith.constant 0 : i32
      %cond3A_206 = arith.cmpi ne, %convert_element_type3A_204, %cond3A_205 : i32
      scf.if %cond3A_206 {
        %add3A_255 = arith.constant 2 : i32
        %add3A_256 = arith.addi %add3A_190, %add3A_255 : i32
        %mul3A_257 = arith.constant 32 : i32
        %mul3A_258 = arith.muli %add3A_256, %mul3A_257 : i32
        %add3A_259 = arith.addi %add3A, %mul3A_258 : i32
        %mul3A_260 = arith.constant 128 : i32
        %mul3A_261 = arith.muli %add3A_259, %mul3A_260 : i32
        %dma_start3A_262 = arith.constant 0 : i32
        %dma_start3A_263 = tpu.memref_slice %arg2[%dma_start3A_262, %mul3A_261] : memref<32x1000000xf32, #tpu.memory_space<hbm>> -> memref<32x128xf32, #tpu.memory_space<hbm>>
        %dma_start3A_264 = arith.constant 0 : i32
        %dma_start3A_265 = tpu.memref_slice %arg2[%dma_start3A_264, %mul3A_261] : memref<32x1000000xf32, #tpu.memory_space<hbm>> -> memref<32x128xf32, #tpu.memory_space<hbm>>
        tpu.enqueue_dma source(%dma_start3A_265 : memref<32x128xf32, #tpu.memory_space<hbm>>) target(%arg4 : memref<32x128xf32, #tpu.memory_space<vmem>>) target_semaphore(%arg10 : memref<!tpu.dma_semaphore, #tpu.memory_space<semaphore_mem>>)
      } else {
      }
      %ge3A_207 = arith.constant 2 : i32
      %ge3A_208 = arith.cmpi sge, %add3A_190, %ge3A_207 : i32
      %convert_element_type3A_209 = arith.extui %ge3A_208 : i1 to i32
      %cond3A_210 = arith.constant 0 : i32
      %cond3A_211 = arith.cmpi ne, %convert_element_type3A_209, %cond3A_210 : i32
      scf.if %cond3A_211 {
        %sub3A = arith.constant 2 : i32
        %sub3A_255 = arith.subi %add3A_190, %sub3A : i32
        %mul3A_256 = arith.constant 32 : i32
        %mul3A_257 = arith.muli %sub3A_255, %mul3A_256 : i32
        %add3A_258 = arith.addi %add3A, %mul3A_257 : i32
        %mul3A_259 = arith.constant 4096 : i32
        %mul3A_260 = arith.muli %add3A_258, %mul3A_259 : i32
        %dma_wait3A_261 = tpu.memref_slice %arg3[%mul3A_260] : memref<32002048xf32, #tpu.memory_space<hbm>> -> memref<4096xf32, #tpu.memory_space<hbm>>
        %dma_wait3A_262 = tpu.memref_slice %arg3[%mul3A_260] : memref<32002048xf32, #tpu.memory_space<hbm>> -> memref<4096xf32, #tpu.memory_space<hbm>>
        tpu.wait_dma2 semaphore(%arg14 : memref<!tpu.dma_semaphore, #tpu.memory_space<semaphore_mem>>) src(%arg8 : memref<4096xf32, #tpu.memory_space<vmem>>) dst(%dma_wait3A_262 : memref<4096xf32, #tpu.memory_space<hbm>>)
      } else {
      }
      %parallel_loop3A_212 = arith.constant 0 : i32
      %parallel_loop3A_213 = arith.constant 32 : i32
      %parallel_loop3A_214 = arith.constant 1 : i32
      scf.for %parallel_loop3A_255 = %parallel_loop3A_212 to %parallel_loop3A_213 step %parallel_loop3A_214  : i32 {
        %parallel_loop3A_256 = tpu.iota {dimensions = array<i32: 0>} : vector<16xi32>
        %parallel_loop3A_257 = vector.broadcast %parallel_loop3A_255 : i32 to vector<16xi32>
        %parallel_loop3A_258 = arith.addi %parallel_loop3A_257, %parallel_loop3A_256 : vector<16xi32>
        %parallel_loop3A_259 = arith.constant 31 : i32
        %parallel_loop3A_260 = vector.broadcast %parallel_loop3A_259 : i32 to vector<16xi32>
        %parallel_loop3A_261 = arith.andi %parallel_loop3A_258, %parallel_loop3A_260 : vector<16xi32>
        %parallel_loop3A_262 = tpu.vector_load_idx %arg6[%parallel_loop3A_261, %add3A_3] : memref<32x128xf32, #tpu.memory_space<vmem>>[vector<16xi32>, vector<16xi32>], vector<16xf32>,
        %parallel_loop3A_263 = arith.addi %mul3A_38, %parallel_loop3A_261 : vector<16xi32>
        tpu.vector_store_idx %arg8[%parallel_loop3A_263], %parallel_loop3A_262 : memref<4096xf32, #tpu.memory_space<vmem>>[vector<16xi32>], vector<16xf32>,
        %parallel_loop3A_264 = tpu.vector_load_idx %arg6[%parallel_loop3A_261, %add3A_7] : memref<32x128xf32, #tpu.memory_space<vmem>>[vector<16xi32>, vector<16xi32>], vector<16xf32>,
        %parallel_loop3A_265 = arith.addi %mul3A_45, %parallel_loop3A_261 : vector<16xi32>
        tpu.vector_store_idx %arg8[%parallel_loop3A_265], %parallel_loop3A_264 : memref<4096xf32, #tpu.memory_space<vmem>>[vector<16xi32>], vector<16xf32>,
        %parallel_loop3A_266 = tpu.vector_load_idx %arg6[%parallel_loop3A_261, %add3A_11] : memref<32x128xf32, #tpu.memory_space<vmem>>[vector<16xi32>, vector<16xi32>], vector<16xf32>,
        %parallel_loop3A_267 = arith.addi %mul3A_52, %parallel_loop3A_261 : vector<16xi32>
        tpu.vector_store_idx %arg8[%parallel_loop3A_267], %parallel_loop3A_266 : memref<4096xf32, #tpu.memory_space<vmem>>[vector<16xi32>], vector<16xf32>,
        %parallel_loop3A_268 = tpu.vector_load_idx %arg6[%parallel_loop3A_261, %add3A_15] : memref<32x128xf32, #tpu.memory_space<vmem>>[vector<16xi32>, vector<16xi32>], vector<16xf32>,
        %parallel_loop3A_269 = arith.addi %mul3A_59, %parallel_loop3A_261 : vector<16xi32>
        tpu.vector_store_idx %arg8[%parallel_loop3A_269], %parallel_loop3A_268 : memref<4096xf32, #tpu.memory_space<vmem>>[vector<16xi32>], vector<16xf32>,
        %parallel_loop3A_270 = tpu.vector_load_idx %arg6[%parallel_loop3A_261, %add3A_19] : memref<32x128xf32, #tpu.memory_space<vmem>>[vector<16xi32>, vector<16xi32>], vector<16xf32>,
        %parallel_loop3A_271 = arith.addi %mul3A_66, %parallel_loop3A_261 : vector<16xi32>
        tpu.vector_store_idx %arg8[%parallel_loop3A_271], %parallel_loop3A_270 : memref<4096xf32, #tpu.memory_space<vmem>>[vector<16xi32>], vector<16xf32>,
        %parallel_loop3A_272 = tpu.vector_load_idx %arg6[%parallel_loop3A_261, %add3A_23] : memref<32x128xf32, #tpu.memory_space<vmem>>[vector<16xi32>, vector<16xi32>], vector<16xf32>,
        %parallel_loop3A_273 = arith.addi %mul3A_73, %parallel_loop3A_261 : vector<16xi32>
        tpu.vector_store_idx %arg8[%parallel_loop3A_273], %parallel_loop3A_272 : memref<4096xf32, #tpu.memory_space<vmem>>[vector<16xi32>], vector<16xf32>,
        %parallel_loop3A_274 = tpu.vector_load_idx %arg6[%parallel_loop3A_261, %add3A_27] : memref<32x128xf32, #tpu.memory_space<vmem>>[vector<16xi32>, vector<16xi32>], vector<16xf32>,
        %parallel_loop3A_275 = arith.addi %mul3A_80, %parallel_loop3A_261 : vector<16xi32>
        tpu.vector_store_idx %arg8[%parallel_loop3A_275], %parallel_loop3A_274 : memref<4096xf32, #tpu.memory_space<vmem>>[vector<16xi32>], vector<16xf32>,
        %parallel_loop3A_276 = tpu.vector_load_idx %arg6[%parallel_loop3A_261, %add3A_31] : memref<32x128xf32, #tpu.memory_space<vmem>>[vector<16xi32>, vector<16xi32>], vector<16xf32>,
        %parallel_loop3A_277 = arith.addi %mul3A_87, %parallel_loop3A_261 : vector<16xi32>
        tpu.vector_store_idx %arg8[%parallel_loop3A_277], %parallel_loop3A_276 : memref<4096xf32, #tpu.memory_space<vmem>>[vector<16xi32>], vector<16xf32>,
      } {sc.loop_unroll_factor = 4 : i64, sc.parallel_access}
      %mul3A_215 = arith.constant 32 : i32
      %mul3A_216 = arith.muli %add3A_190, %mul3A_215 : i32
      %add3A_217 = arith.addi %add3A, %mul3A_216 : i32
      %mul3A_218 = arith.constant 4096 : i32
      %mul3A_219 = arith.muli %add3A_217, %mul3A_218 : i32
      %dma_start3A_220 = tpu.memref_slice %arg3[%mul3A_219] : memref<32002048xf32, #tpu.memory_space<hbm>> -> memref<4096xf32, #tpu.memory_space<hbm>>
      %dma_start3A_221 = tpu.memref_slice %arg3[%mul3A_219] : memref<32002048xf32, #tpu.memory_space<hbm>> -> memref<4096xf32, #tpu.memory_space<hbm>>
      tpu.enqueue_dma source(%arg8 : memref<4096xf32, #tpu.memory_space<vmem>>) target(%dma_start3A_221 : memref<4096xf32, #tpu.memory_space<hbm>>) target_semaphore(%arg14 : memref<!tpu.dma_semaphore, #tpu.memory_space<semaphore_mem>>)
      %add3A_222 = arith.constant 3 : i32
      %add3A_223 = arith.addi %add3A_124, %add3A_222 : i32
      %mul3A_224 = arith.constant 32 : i32
      %mul3A_225 = arith.muli %add3A_223, %mul3A_224 : i32
      %add3A_226 = arith.addi %add3A, %mul3A_225 : i32
      %mul3A_227 = arith.constant 128 : i32
      %mul3A_228 = arith.muli %add3A_226, %mul3A_227 : i32
      %dma_wait3A_229 = arith.constant 0 : i32
      %dma_wait3A_230 = tpu.memref_slice %arg2[%dma_wait3A_229, %mul3A_228] : memref<32x1000000xf32, #tpu.memory_space<hbm>> -> memref<32x128xf32, #tpu.memory_space<hbm>>
      %dma_wait3A_231 = arith.constant 0 : i32
      %dma_wait3A_232 = tpu.memref_slice %arg2[%dma_wait3A_231, %mul3A_228] : memref<32x1000000xf32, #tpu.memory_space<hbm>> -> memref<32x128xf32, #tpu.memory_space<hbm>>
      tpu.wait_dma2 semaphore(%arg13 : memref<!tpu.dma_semaphore, #tpu.memory_space<semaphore_mem>>) src(%dma_wait3A_232 : memref<32x128xf32, #tpu.memory_space<hbm>>) dst(%arg7 : memref<32x128xf32, #tpu.memory_space<vmem>>)
      %add3A_233 = arith.constant 2 : i32
      %add3A_234 = arith.addi %add3A_223, %add3A_233 : i32
      %lt3A_235 = arith.constant 244 : i32
      %lt3A_236 = arith.cmpi slt, %add3A_234, %lt3A_235 : i32
      %convert_element_type3A_237 = arith.extui %lt3A_236 : i1 to i32
      %cond3A_238 = arith.constant 0 : i32
      %cond3A_239 = arith.cmpi ne, %convert_element_type3A_237, %cond3A_238 : i32
      scf.if %cond3A_239 {
        %add3A_255 = arith.constant 2 : i32
        %add3A_256 = arith.addi %add3A_223, %add3A_255 : i32
        %mul3A_257 = arith.constant 32 : i32
        %mul3A_258 = arith.muli %add3A_256, %mul3A_257 : i32
        %add3A_259 = arith.addi %add3A, %mul3A_258 : i32
        %mul3A_260 = arith.constant 128 : i32
        %mul3A_261 = arith.muli %add3A_259, %mul3A_260 : i32
        %dma_start3A_262 = arith.constant 0 : i32
        %dma_start3A_263 = tpu.memref_slice %arg2[%dma_start3A_262, %mul3A_261] : memref<32x1000000xf32, #tpu.memory_space<hbm>> -> memref<32x128xf32, #tpu.memory_space<hbm>>
        %dma_start3A_264 = arith.constant 0 : i32
        %dma_start3A_265 = tpu.memref_slice %arg2[%dma_start3A_264, %mul3A_261] : memref<32x1000000xf32, #tpu.memory_space<hbm>> -> memref<32x128xf32, #tpu.memory_space<hbm>>
        tpu.enqueue_dma source(%dma_start3A_265 : memref<32x128xf32, #tpu.memory_space<hbm>>) target(%arg5 : memref<32x128xf32, #tpu.memory_space<vmem>>) target_semaphore(%arg11 : memref<!tpu.dma_semaphore, #tpu.memory_space<semaphore_mem>>)
      } else {
      }
      %ge3A_240 = arith.constant 2 : i32
      %ge3A_241 = arith.cmpi sge, %add3A_223, %ge3A_240 : i32
      %convert_element_type3A_242 = arith.extui %ge3A_241 : i1 to i32
      %cond3A_243 = arith.constant 0 : i32
      %cond3A_244 = arith.cmpi ne, %convert_element_type3A_242, %cond3A_243 : i32
      scf.if %cond3A_244 {
        %sub3A = arith.constant 2 : i32
        %sub3A_255 = arith.subi %add3A_223, %sub3A : i32
        %mul3A_256 = arith.constant 32 : i32
        %mul3A_257 = arith.muli %sub3A_255, %mul3A_256 : i32
        %add3A_258 = arith.addi %add3A, %mul3A_257 : i32
        %mul3A_259 = arith.constant 4096 : i32
        %mul3A_260 = arith.muli %add3A_258, %mul3A_259 : i32
        %dma_wait3A_261 = tpu.memref_slice %arg3[%mul3A_260] : memref<32002048xf32, #tpu.memory_space<hbm>> -> memref<4096xf32, #tpu.memory_space<hbm>>
        %dma_wait3A_262 = tpu.memref_slice %arg3[%mul3A_260] : memref<32002048xf32, #tpu.memory_space<hbm>> -> memref<4096xf32, #tpu.memory_space<hbm>>
        tpu.wait_dma2 semaphore(%arg15 : memref<!tpu.dma_semaphore, #tpu.memory_space<semaphore_mem>>) src(%arg9 : memref<4096xf32, #tpu.memory_space<vmem>>) dst(%dma_wait3A_262 : memref<4096xf32, #tpu.memory_space<hbm>>)
      } else {
      }
      %parallel_loop3A_245 = arith.constant 0 : i32
      %parallel_loop3A_246 = arith.constant 32 : i32
      %parallel_loop3A_247 = arith.constant 1 : i32
      scf.for %parallel_loop3A_255 = %parallel_loop3A_245 to %parallel_loop3A_246 step %parallel_loop3A_247  : i32 {
        %parallel_loop3A_256 = tpu.iota {dimensions = array<i32: 0>} : vector<16xi32>
        %parallel_loop3A_257 = vector.broadcast %parallel_loop3A_255 : i32 to vector<16xi32>
        %parallel_loop3A_258 = arith.addi %parallel_loop3A_257, %parallel_loop3A_256 : vector<16xi32>
        %parallel_loop3A_259 = arith.constant 31 : i32
        %parallel_loop3A_260 = vector.broadcast %parallel_loop3A_259 : i32 to vector<16xi32>
        %parallel_loop3A_261 = arith.andi %parallel_loop3A_258, %parallel_loop3A_260 : vector<16xi32>
        %parallel_loop3A_262 = tpu.vector_load_idx %arg7[%parallel_loop3A_261, %add3A_3] : memref<32x128xf32, #tpu.memory_space<vmem>>[vector<16xi32>, vector<16xi32>], vector<16xf32>,
        %parallel_loop3A_263 = arith.addi %mul3A_38, %parallel_loop3A_261 : vector<16xi32>
        tpu.vector_store_idx %arg9[%parallel_loop3A_263], %parallel_loop3A_262 : memref<4096xf32, #tpu.memory_space<vmem>>[vector<16xi32>], vector<16xf32>,
        %parallel_loop3A_264 = tpu.vector_load_idx %arg7[%parallel_loop3A_261, %add3A_7] : memref<32x128xf32, #tpu.memory_space<vmem>>[vector<16xi32>, vector<16xi32>], vector<16xf32>,
        %parallel_loop3A_265 = arith.addi %mul3A_45, %parallel_loop3A_261 : vector<16xi32>
        tpu.vector_store_idx %arg9[%parallel_loop3A_265], %parallel_loop3A_264 : memref<4096xf32, #tpu.memory_space<vmem>>[vector<16xi32>], vector<16xf32>,
        %parallel_loop3A_266 = tpu.vector_load_idx %arg7[%parallel_loop3A_261, %add3A_11] : memref<32x128xf32, #tpu.memory_space<vmem>>[vector<16xi32>, vector<16xi32>], vector<16xf32>,
        %parallel_loop3A_267 = arith.addi %mul3A_52, %parallel_loop3A_261 : vector<16xi32>
        tpu.vector_store_idx %arg9[%parallel_loop3A_267], %parallel_loop3A_266 : memref<4096xf32, #tpu.memory_space<vmem>>[vector<16xi32>], vector<16xf32>,
        %parallel_loop3A_268 = tpu.vector_load_idx %arg7[%parallel_loop3A_261, %add3A_15] : memref<32x128xf32, #tpu.memory_space<vmem>>[vector<16xi32>, vector<16xi32>], vector<16xf32>,
        %parallel_loop3A_269 = arith.addi %mul3A_59, %parallel_loop3A_261 : vector<16xi32>
        tpu.vector_store_idx %arg9[%parallel_loop3A_269], %parallel_loop3A_268 : memref<4096xf32, #tpu.memory_space<vmem>>[vector<16xi32>], vector<16xf32>,
        %parallel_loop3A_270 = tpu.vector_load_idx %arg7[%parallel_loop3A_261, %add3A_19] : memref<32x128xf32, #tpu.memory_space<vmem>>[vector<16xi32>, vector<16xi32>], vector<16xf32>,
        %parallel_loop3A_271 = arith.addi %mul3A_66, %parallel_loop3A_261 : vector<16xi32>
        tpu.vector_store_idx %arg9[%parallel_loop3A_271], %parallel_loop3A_270 : memref<4096xf32, #tpu.memory_space<vmem>>[vector<16xi32>], vector<16xf32>,
        %parallel_loop3A_272 = tpu.vector_load_idx %arg7[%parallel_loop3A_261, %add3A_23] : memref<32x128xf32, #tpu.memory_space<vmem>>[vector<16xi32>, vector<16xi32>], vector<16xf32>,
        %parallel_loop3A_273 = arith.addi %mul3A_73, %parallel_loop3A_261 : vector<16xi32>
        tpu.vector_store_idx %arg9[%parallel_loop3A_273], %parallel_loop3A_272 : memref<4096xf32, #tpu.memory_space<vmem>>[vector<16xi32>], vector<16xf32>,
        %parallel_loop3A_274 = tpu.vector_load_idx %arg7[%parallel_loop3A_261, %add3A_27] : memref<32x128xf32, #tpu.memory_space<vmem>>[vector<16xi32>, vector<16xi32>], vector<16xf32>,
        %parallel_loop3A_275 = arith.addi %mul3A_80, %parallel_loop3A_261 : vector<16xi32>
        tpu.vector_store_idx %arg9[%parallel_loop3A_275], %parallel_loop3A_274 : memref<4096xf32, #tpu.memory_space<vmem>>[vector<16xi32>], vector<16xf32>,
        %parallel_loop3A_276 = tpu.vector_load_idx %arg7[%parallel_loop3A_261, %add3A_31] : memref<32x128xf32, #tpu.memory_space<vmem>>[vector<16xi32>, vector<16xi32>], vector<16xf32>,
        %parallel_loop3A_277 = arith.addi %mul3A_87, %parallel_loop3A_261 : vector<16xi32>
        tpu.vector_store_idx %arg9[%parallel_loop3A_277], %parallel_loop3A_276 : memref<4096xf32, #tpu.memory_space<vmem>>[vector<16xi32>], vector<16xf32>,
      } {sc.loop_unroll_factor = 4 : i64, sc.parallel_access}
      %mul3A_248 = arith.constant 32 : i32
      %mul3A_249 = arith.muli %add3A_223, %mul3A_248 : i32
      %add3A_250 = arith.addi %add3A, %mul3A_249 : i32
      %mul3A_251 = arith.constant 4096 : i32
      %mul3A_252 = arith.muli %add3A_250, %mul3A_251 : i32
      %dma_start3A_253 = tpu.memref_slice %arg3[%mul3A_252] : memref<32002048xf32, #tpu.memory_space<hbm>> -> memref<4096xf32, #tpu.memory_space<hbm>>
      %dma_start3A_254 = tpu.memref_slice %arg3[%mul3A_252] : memref<32002048xf32, #tpu.memory_space<hbm>> -> memref<4096xf32, #tpu.memory_space<hbm>>
      tpu.enqueue_dma source(%arg9 : memref<4096xf32, #tpu.memory_space<vmem>>) target(%dma_start3A_254 : memref<4096xf32, #tpu.memory_space<hbm>>) target_semaphore(%arg15 : memref<!tpu.dma_semaphore, #tpu.memory_space<semaphore_mem>>)
    }
    %scan3A_106 = arith.constant 61 : i32
    %add3A_107 = arith.constant 7744 : i32
    %add3A_108 = arith.addi %add3A, %add3A_107 : i32
    %mul3A_109 = arith.constant 4096 : i32
    %mul3A_110 = arith.muli %add3A_108, %mul3A_109 : i32
    %dma_wait3A = tpu.memref_slice %arg3[%mul3A_110] : memref<32002048xf32, #tpu.memory_space<hbm>> -> memref<4096xf32, #tpu.memory_space<hbm>>
    %dma_wait3A_111 = tpu.memref_slice %arg3[%mul3A_110] : memref<32002048xf32, #tpu.memory_space<hbm>> -> memref<4096xf32, #tpu.memory_space<hbm>>
    tpu.wait_dma2 semaphore(%arg14 : memref<!tpu.dma_semaphore, #tpu.memory_space<semaphore_mem>>) src(%arg8 : memref<4096xf32, #tpu.memory_space<vmem>>) dst(%dma_wait3A_111 : memref<4096xf32, #tpu.memory_space<hbm>>)
    %add3A_112 = arith.constant 7776 : i32
    %add3A_113 = arith.addi %add3A, %add3A_112 : i32
    %mul3A_114 = arith.constant 4096 : i32
    %mul3A_115 = arith.muli %add3A_113, %mul3A_114 : i32
    %dma_wait3A_116 = tpu.memref_slice %arg3[%mul3A_115] : memref<32002048xf32, #tpu.memory_space<hbm>> -> memref<4096xf32, #tpu.memory_space<hbm>>
    %dma_wait3A_117 = tpu.memref_slice %arg3[%mul3A_115] : memref<32002048xf32, #tpu.memory_space<hbm>> -> memref<4096xf32, #tpu.memory_space<hbm>>
    tpu.wait_dma2 semaphore(%arg15 : memref<!tpu.dma_semaphore, #tpu.memory_space<semaphore_mem>>) src(%arg9 : memref<4096xf32, #tpu.memory_space<vmem>>) dst(%dma_wait3A_117 : memref<4096xf32, #tpu.memory_space<hbm>>)
    %lt3A = arith.constant 5 : i32
    %lt3A_118 = arith.cmpi slt, %add3A, %lt3A : i32
    %convert_element_type3A = arith.extui %lt3A_118 : i1 to i32
    %cond3A = arith.constant 0 : i32
    %cond3A_119 = arith.cmpi ne, %convert_element_type3A, %cond3A : i32
    scf.if %cond3A_119 {
      %add3A_120 = arith.constant 7808 : i32
      %add3A_121 = arith.addi %add3A, %add3A_120 : i32
      %mul3A_122 = arith.constant 128 : i32
      %mul3A_123 = arith.muli %add3A_121, %mul3A_122 : i32
      %dma_start3A_124 = arith.constant 0 : i32
      %dma_start3A_125 = tpu.memref_slice %arg2[%dma_start3A_124, %mul3A_123] : memref<32x1000000xf32, #tpu.memory_space<hbm>> -> memref<32x128xf32, #tpu.memory_space<hbm>>
      %dma_start3A_126 = arith.constant 0 : i32
      %dma_start3A_127 = tpu.memref_slice %arg2[%dma_start3A_126, %mul3A_123] : memref<32x1000000xf32, #tpu.memory_space<hbm>> -> memref<32x128xf32, #tpu.memory_space<hbm>>
      tpu.enqueue_dma source(%dma_start3A_127 : memref<32x128xf32, #tpu.memory_space<hbm>>) target(%arg4 : memref<32x128xf32, #tpu.memory_space<vmem>>) target_semaphore(%arg10 : memref<!tpu.dma_semaphore, #tpu.memory_space<semaphore_mem>>)
      %add3A_128 = arith.constant 7808 : i32
      %add3A_129 = arith.addi %add3A, %add3A_128 : i32
      %mul3A_130 = arith.constant 128 : i32
      %mul3A_131 = arith.muli %add3A_129, %mul3A_130 : i32
      %dma_wait3A_132 = arith.constant 0 : i32
      %dma_wait3A_133 = tpu.memref_slice %arg2[%dma_wait3A_132, %mul3A_131] : memref<32x1000000xf32, #tpu.memory_space<hbm>> -> memref<32x128xf32, #tpu.memory_space<hbm>>
      %dma_wait3A_134 = arith.constant 0 : i32
      %dma_wait3A_135 = tpu.memref_slice %arg2[%dma_wait3A_134, %mul3A_131] : memref<32x1000000xf32, #tpu.memory_space<hbm>> -> memref<32x128xf32, #tpu.memory_space<hbm>>
      tpu.wait_dma2 semaphore(%arg10 : memref<!tpu.dma_semaphore, #tpu.memory_space<semaphore_mem>>) src(%dma_wait3A_135 : memref<32x128xf32, #tpu.memory_space<hbm>>) dst(%arg4 : memref<32x128xf32, #tpu.memory_space<vmem>>)
      %parallel_loop3A = arith.constant 0 : i32
      %parallel_loop3A_136 = arith.constant 32 : i32
      %parallel_loop3A_137 = arith.constant 1 : i32
      scf.for %parallel_loop3A_150 = %parallel_loop3A to %parallel_loop3A_136 step %parallel_loop3A_137  : i32 {
        %parallel_loop3A_151 = tpu.iota {dimensions = array<i32: 0>} : vector<16xi32>
        %parallel_loop3A_152 = vector.broadcast %parallel_loop3A_150 : i32 to vector<16xi32>
        %parallel_loop3A_153 = arith.addi %parallel_loop3A_152, %parallel_loop3A_151 : vector<16xi32>
        %parallel_loop3A_154 = arith.constant 31 : i32
        %parallel_loop3A_155 = vector.broadcast %parallel_loop3A_154 : i32 to vector<16xi32>
        %parallel_loop3A_156 = arith.andi %parallel_loop3A_153, %parallel_loop3A_155 : vector<16xi32>
        %parallel_loop3A_157 = tpu.vector_load_idx %arg4[%parallel_loop3A_156, %add3A_3] : memref<32x128xf32, #tpu.memory_space<vmem>>[vector<16xi32>, vector<16xi32>], vector<16xf32>,
        %parallel_loop3A_158 = arith.addi %mul3A_38, %parallel_loop3A_156 : vector<16xi32>
        tpu.vector_store_idx %arg8[%parallel_loop3A_158], %parallel_loop3A_157 : memref<4096xf32, #tpu.memory_space<vmem>>[vector<16xi32>], vector<16xf32>,
        %parallel_loop3A_159 = tpu.vector_load_idx %arg4[%parallel_loop3A_156, %add3A_7] : memref<32x128xf32, #tpu.memory_space<vmem>>[vector<16xi32>, vector<16xi32>], vector<16xf32>,
        %parallel_loop3A_160 = arith.addi %mul3A_45, %parallel_loop3A_156 : vector<16xi32>
        tpu.vector_store_idx %arg8[%parallel_loop3A_160], %parallel_loop3A_159 : memref<4096xf32, #tpu.memory_space<vmem>>[vector<16xi32>], vector<16xf32>,
        %parallel_loop3A_161 = tpu.vector_load_idx %arg4[%parallel_loop3A_156, %add3A_11] : memref<32x128xf32, #tpu.memory_space<vmem>>[vector<16xi32>, vector<16xi32>], vector<16xf32>,
        %parallel_loop3A_162 = arith.addi %mul3A_52, %parallel_loop3A_156 : vector<16xi32>
        tpu.vector_store_idx %arg8[%parallel_loop3A_162], %parallel_loop3A_161 : memref<4096xf32, #tpu.memory_space<vmem>>[vector<16xi32>], vector<16xf32>,
        %parallel_loop3A_163 = tpu.vector_load_idx %arg4[%parallel_loop3A_156, %add3A_15] : memref<32x128xf32, #tpu.memory_space<vmem>>[vector<16xi32>, vector<16xi32>], vector<16xf32>,
        %parallel_loop3A_164 = arith.addi %mul3A_59, %parallel_loop3A_156 : vector<16xi32>
        tpu.vector_store_idx %arg8[%parallel_loop3A_164], %parallel_loop3A_163 : memref<4096xf32, #tpu.memory_space<vmem>>[vector<16xi32>], vector<16xf32>,
        %parallel_loop3A_165 = tpu.vector_load_idx %arg4[%parallel_loop3A_156, %add3A_19] : memref<32x128xf32, #tpu.memory_space<vmem>>[vector<16xi32>, vector<16xi32>], vector<16xf32>,
        %parallel_loop3A_166 = arith.addi %mul3A_66, %parallel_loop3A_156 : vector<16xi32>
        tpu.vector_store_idx %arg8[%parallel_loop3A_166], %parallel_loop3A_165 : memref<4096xf32, #tpu.memory_space<vmem>>[vector<16xi32>], vector<16xf32>,
        %parallel_loop3A_167 = tpu.vector_load_idx %arg4[%parallel_loop3A_156, %add3A_23] : memref<32x128xf32, #tpu.memory_space<vmem>>[vector<16xi32>, vector<16xi32>], vector<16xf32>,
        %parallel_loop3A_168 = arith.addi %mul3A_73, %parallel_loop3A_156 : vector<16xi32>
        tpu.vector_store_idx %arg8[%parallel_loop3A_168], %parallel_loop3A_167 : memref<4096xf32, #tpu.memory_space<vmem>>[vector<16xi32>], vector<16xf32>,
        %parallel_loop3A_169 = tpu.vector_load_idx %arg4[%parallel_loop3A_156, %add3A_27] : memref<32x128xf32, #tpu.memory_space<vmem>>[vector<16xi32>, vector<16xi32>], vector<16xf32>,
        %parallel_loop3A_170 = arith.addi %mul3A_80, %parallel_loop3A_156 : vector<16xi32>
        tpu.vector_store_idx %arg8[%parallel_loop3A_170], %parallel_loop3A_169 : memref<4096xf32, #tpu.memory_space<vmem>>[vector<16xi32>], vector<16xf32>,
        %parallel_loop3A_171 = tpu.vector_load_idx %arg4[%parallel_loop3A_156, %add3A_31] : memref<32x128xf32, #tpu.memory_space<vmem>>[vector<16xi32>, vector<16xi32>], vector<16xf32>,
        %parallel_loop3A_172 = arith.addi %mul3A_87, %parallel_loop3A_156 : vector<16xi32>
        tpu.vector_store_idx %arg8[%parallel_loop3A_172], %parallel_loop3A_171 : memref<4096xf32, #tpu.memory_space<vmem>>[vector<16xi32>], vector<16xf32>,
      } {sc.loop_unroll_factor = 4 : i64, sc.parallel_access}
      %add3A_138 = arith.constant 7808 : i32
      %add3A_139 = arith.addi %add3A, %add3A_138 : i32
      %mul3A_140 = arith.constant 4096 : i32
      %mul3A_141 = arith.muli %add3A_139, %mul3A_140 : i32
      %dma_start3A_142 = tpu.memref_slice %arg3[%mul3A_141] : memref<32002048xf32, #tpu.memory_space<hbm>> -> memref<4096xf32, #tpu.memory_space<hbm>>
      %dma_start3A_143 = tpu.memref_slice %arg3[%mul3A_141] : memref<32002048xf32, #tpu.memory_space<hbm>> -> memref<4096xf32, #tpu.memory_space<hbm>>
      tpu.enqueue_dma source(%arg8 : memref<4096xf32, #tpu.memory_space<vmem>>) target(%dma_start3A_143 : memref<4096xf32, #tpu.memory_space<hbm>>) target_semaphore(%arg14 : memref<!tpu.dma_semaphore, #tpu.memory_space<semaphore_mem>>)
      %add3A_144 = arith.constant 7808 : i32
      %add3A_145 = arith.addi %add3A, %add3A_144 : i32
      %mul3A_146 = arith.constant 4096 : i32
      %mul3A_147 = arith.muli %add3A_145, %mul3A_146 : i32
      %dma_wait3A_148 = tpu.memref_slice %arg3[%mul3A_147] : memref<32002048xf32, #tpu.memory_space<hbm>> -> memref<4096xf32, #tpu.memory_space<hbm>>
      %dma_wait3A_149 = tpu.memref_slice %arg3[%mul3A_147] : memref<32002048xf32, #tpu.memory_space<hbm>> -> memref<4096xf32, #tpu.memory_space<hbm>>
      tpu.wait_dma2 semaphore(%arg14 : memref<!tpu.dma_semaphore, #tpu.memory_space<semaphore_mem>>) src(%arg8 : memref<4096xf32, #tpu.memory_space<vmem>>) dst(%dma_wait3A_149 : memref<4096xf32, #tpu.memory_space<hbm>>)
    } else {
    }
    return
  }
}

</mosaic_0001>

<sc_bundles>
// kernel: _reformat.3.cloned.1.call-start
scs
__scs_entry_jumppad:
0x0: {  	(pc) =	sbr.rel $0x88, $3  }
0x1: {  	(tag) =	ssettag $0x0;
	lr =	simm.s32 $0x1  }
0x2: {  	[smem:$0x3FA0] =	sst lr;
	_ =	strace $0xD0000000  }
0x3: {  	_ = 	snop  }
0x4: {  	_ = 	snop  }
0x5: {  	_ = 	snop  }
0x6: {  	_ = 	snop  }
0x7: {  	_ = 	snop  }
__scs_overlays_trampoline_lowered:
0x8: {  	[smem:$0x3FAF] =	sst s0  }
0x9: {  	[smem:$0x3FB0] =	sst s1  }
0xa: {  	[smem:$0x3FB1] =	sst s2  }
0xb: {  	[smem:$0x3FB2] =	sst s3  }
0xc: {  	[smem:$0x3FB3] =	sst s4  }
0xd: {  	[smem:$0x3FB4] =	sst s5  }
0xe: {  	[smem:$0x3FB5] =	sst s6  }
0xf: {  	[smem:$0x3FB6] =	sst s7  }
0x10: {  	[smem:$0x3FB7] =	sst s8  }
0x11: {  	[smem:$0x3FB8] =	sst s9;
	s0 =	simm.s32 @!p0 $0x0  }
0x12: {  	s1 =	sld [smem:$0x3F9E];
	s0 =	simm.s32 @p0 $0x1  }
0x13: {  	[smem:$0x3FB9] =	sst s0;
	s0 =	simm.s32 @!p1 $0x0  }
0x14: {  	s2 =	sld [smem:$0x3F9D];
	s0 =	simm.s32 @p1 $0x1  }
0x15: {  	[smem:$0x3FBA] =	sst s0;
	s0 =	simm.s32 @!p2 $0x0  }
0x16: {  	s3 =	sld [smem:$0x3FDB];
	s0 =	simm.s32 @p2 $0x1  }
0x17: {  	s4 =	simm.s32 $0x1BF5;
	[smem:$0x3FBC] =	sst s0  }
0x18: {  	s0 =	sld [smem:$0x3F9F];
	_ =	swait.ge [sflag:s4], $0x0  }
0x19: {  	s7 =	sld [smem:$0x3FA0]  }
0x1a: {  	s8 =	sadd.s32 $0xFFFFE003, lr  }
0x1b: {  	s9 =	sadd.s32 $0xFFFFFEF7, lr;
	s5 =	simm.s32 $0xFFFFFFFF;
	p2 =	slt.u32 s8, $0xFFFFF086  }
0x1c: {  	p1 =	slt.u32 s9, $0xF7A;
	s5 =	simm.s32 @!p2 $0x0  }
0x1d: {  	s5 =	simm.s32 @p1 $0x1;
	p0 =	seq.s32 s7, s2  }
0x1e: {  	s7 =	smul.u32 @!p0 $0xF7A, s2;
	p2 =	seq.s32 @!p0 s5, $0x0  }
0x1f: {  	s9 =	smul.u32 $0xF7A, s1;
	s8 =	simm.s32 @!p0 $0x1BF5;
	p2 =	por !p2, p0  }
0x20: {  	[sflag:s8] =	ssyncset.s32 @!p0 $0xFFFFF086;
	s6 =	sadd.s32 @!p0 s3, s7;
	s7 =	simm.s32 @!p0 $0x108  }
0x21: {  	s3 =	sadd.s32 s3, s9;
	s6 =	sadd.s32 @!p0 $0x88, s6;
	s7 =	simm.s32 @p2 $0x1082  }
0x22: {  	[simem:s7], [sflag:s8] =	dma.local @!p0 [hbm:s6], $0xF7A  }
0x23: {  	s9 =	sor.u32 $0xD0000000, s2;
	s6 =	simm.s32 $0x108;
	_ =	swait.ge @!p0 [sflag:s8], $0x0  }
0x24: {  	s3 =	sadd.s32 $0x88, s3;
	s6 =	simm.s32 @!p1 $0x1082;
	[sflag:s4] =	ssyncset.s32 $0xFFFFF086  }
0x25: {  	[simem:s6], [sflag:s4] =	dma.local [hbm:s3], $0xF7A  }
0x26: {  	[smem:$0x3FA0] =	sst s1;
	(tag) =	ssettag s2;
	_ =	strace s9  }
0x27: {  	s1 =	sld [smem:$0x3FB0]  }
0x28: {  	s2 =	sld [smem:$0x3FB1]  }
0x29: {  	s4 =	sld [smem:$0x3FB3]  }
0x2a: {  	p0 =	seq.s32 s5, $0x0;
	s5 =	sld [smem:$0x3FB4]  }
0x2b: {  	s6 =	sld [smem:$0x3FB5]  }
0x2c: {  	s7 =	sld [smem:$0x3FB6]  }
0x2d: {  	s3 =	simm.s32 $0x108;
	s8 =	sld [smem:$0x3FB7]  }
0x2e: {  	s3 =	simm.s32 @!p0 $0x1082;
	s9 =	sld [smem:$0x3FB8]  }
0x2f: {  	lr =	sadd.s32 s0, s3;
	s0 =	sld [smem:$0x3FAF]  }
0x30: {  	s3 =	sld [smem:$0x3FB2]  }
0x31: {  	[smem:$0x3FBB] =	sst s10  }
0x32: {  	s10 =	sld [smem:$0x3FB9];
	_ =	sdelay $0x3  }
0x33: {  	p0 =	seq.s32 s10, $0x1;
	s10 =	sld [smem:$0x3FBB];
	_ =	sdelay $0x3  }
0x34: {  	[smem:$0x3FBB] =	sst s10  }
0x35: {  	s10 =	sld [smem:$0x3FBA];
	_ =	sdelay $0x3  }
0x36: {  	p1 =	seq.s32 s10, $0x1;
	s10 =	sld [smem:$0x3FBB];
	_ =	sdelay $0x3  }
0x37: {  	[smem:$0x3FBB] =	sst s10  }
0x38: {  	s10 =	sld [smem:$0x3FBC]  }
0x39: {  	_ = 	snop;
	(pc) =	sbr.ind lr, $3  }
0x3a: {  	_ = 	snop  }
0x3b: {  	_ = 	snop  }
0x3c: {  	p2 =	seq.s32 s10, $0x1;
	s10 =	sld [smem:$0x3FBB]  }
0x3d: {  	_ =	shalt  }
0x3e: {  	_ =	shalt  }
0x3f: {  	_ =	shalt  }
0x40: {  	_ =	shalt  }
0x41: {  	_ =	shalt  }
0x42: {  	_ =	shalt  }
0x43: {  	_ =	shalt  }
0x44: {  	_ =	shalt  }
0x45: {  	_ =	shalt  }
0x46: {  	_ =	shalt  }
0x47: {  	_ =	shalt  }
0x48: {  	_ =	shalt  }
0x49: {  	_ =	shalt  }
0x4a: {  	_ =	shalt  }
0x4b: {  	_ =	shalt  }
0x4c: {  	_ =	shalt  }
0x4d: {  	_ =	shalt  }
0x4e: {  	_ =	shalt  }
0x4f: {  	_ =	shalt  }
0x50: {  	_ =	shalt  }
0x51: {  	_ =	shalt  }
0x52: {  	_ =	shalt  }
0x53: {  	_ =	shalt  }
0x54: {  	_ =	shalt  }
0x55: {  	_ =	shalt  }
0x56: {  	_ =	shalt  }
0x57: {  	_ =	shalt  }
0x58: {  	_ =	shalt  }
0x59: {  	_ =	shalt  }
0x5a: {  	_ =	shalt  }
0x5b: {  	_ =	shalt  }
0x5c: {  	_ =	shalt  }
0x5d: {  	_ =	shalt  }
0x5e: {  	_ =	shalt  }
0x5f: {  	_ =	shalt  }
0x60: {  	_ =	shalt  }
0x61: {  	_ =	shalt  }
0x62: {  	_ =	shalt  }
0x63: {  	_ =	shalt  }
0x64: {  	_ =	shalt  }
0x65: {  	_ =	shalt  }
0x66: {  	_ =	shalt  }
0x67: {  	_ =	shalt  }
0x68: {  	_ =	shalt  }
0x69: {  	_ =	shalt  }
0x6a: {  	_ =	shalt  }
0x6b: {  	_ =	shalt  }
0x6c: {  	_ =	shalt  }
0x6d: {  	_ =	shalt  }
0x6e: {  	_ =	shalt  }
0x6f: {  	_ =	shalt  }
0x70: {  	_ =	shalt  }
0x71: {  	_ =	shalt  }
0x72: {  	_ =	shalt  }
0x73: {  	_ =	shalt  }
0x74: {  	_ =	shalt  }
0x75: {  	_ =	shalt  }
0x76: {  	_ =	shalt  }
0x77: {  	_ =	shalt  }
0x78: {  	_ =	shalt  }
0x79: {  	_ =	shalt  }
0x7a: {  	_ =	shalt  }
0x7b: {  	_ =	shalt  }
0x7c: {  	_ =	shalt  }
0x7d: {  	_ =	shalt  }
0x7e: {  	_ =	shalt  }
0x7f: {  	_ =	shalt  }
0x80: {  	_ =	shalt  }
0x81: {  	_ =	shalt  }
0x82: {  	_ =	shalt  }
0x83: {  	_ =	shalt  }
0x84: {  	_ =	shalt  }
0x85: {  	_ =	shalt  }
0x86: {  	_ =	shalt  }
0x87: {  	_ =	shalt  }
.Lfunc_end0:
.L_simem_size_0:
called_computation_lowered:
.L_overlay_start_0:
0x88: {  	s2 =	sld [smem:$0x3FD9]  }
0x89: {  	s3 =	sld [smem:$0x3FFE];
	_ =	sdelay $0x1  }
0x8a: {  	s1 =	srdreg.scid  }
0x8b: {  	s0 =	sand.u32 $0x1, s1  }
0x8c: {  	s18 =	sshll.u32 s0, $0xA;
	s2 =	sadd.s32 s3, s2  }
0x8d: {  	s2 =	sadd.s32 s2, s18  }
0x8e: {  	[smem:$0x3FC7] =	sst s2  }
0x8f: {  	_ = 	snop  }
0x90: {  	s2 =	sld [smem:$0x3FC9]  }
0x91: {  	s19 =	sld [smem:$0x3FD0];
	(tm) =	ssettm $0x1  }
0x92: {  	s4 =	sld [smem:$0x3FFB];
	_ =	sdelay $0x3  }
0x93: {  	_ =	strace s4  }
0x94: {  	s4 =	sld [smem:$0x3FFC];
	_ =	sdelay $0x3  }
0x95: {  	_ =	strace s4  }
0x96: {  	s4 =	sld [smem:$0x3FFD];
	_ =	sdelay $0x3  }
0x97: {  	_ =	strace s4  }
0x98: {  	_ =	strace $0x8FFFFFFF  }
0x99: {  	s20 =	sld [smem:$0x3FDB];
	_ =	sdelay $0x1  }
0x9a: {  	s5 =	simm.s32 $_scs_section_size  }
0x9b: {  	s6 =	simm.s32 $_size__tile_overlayer_lowered;
	s7 =	simm.s32 $_tile_overlayer_lowered  }
0x9c: {  	s23 =	simm.s32 $0x1BFF;
	s22 =	sshll.u32 s7, $0x1;
	s4 =	sadd.s32 s5, s20  }
0x9d: {  	s8 =	simm.s32 $0x0;
	s21 =	sshll.u32 s6, $0x1;
	s6 =	sadd.s32 s22, s4  }
0x9e: {  	[timem:s8], [sflag:s23] =	dma.local [hbm:s6], s21  }
0x9f: {  	_ =	swait.ge [sflag:s23], s21  }
0xa0: {  	s5 =	ssub.s32 $0x0, s21;
	[sflag:s23] =	ssyncset.done $0x0  }
0xa1: {  	[sflag:s23] =	ssyncadd.s32 s5;
	_ =	sdelay $0x1  }
0xa2: {  	s24 =	simm.s32 $0x1B8B  }
0xa3: {  	_ =	swait.ge [sflag:s24], $0x1  }
0xa4: {  	[sflag:s24] =	ssyncset.done $0x0  }
0xa5: {  	s25 =	simm.s32 $0x1B8E;
	[sflag:s24] =	ssyncadd.s32 $0xFFFFFFFF  }
0xa6: {  	s26 =	simm.s32 $execute0_lowered;
	[smem:$0x3FD2] =	sst s25  }
0xa7: {  	s5 =	sshll.u32 s26, $0x1;
	_ =	strace $0x80000046;
	[dreg:$0x1] =	wrdreg $0xFFFFFFFF  }
0xa8: {  	s28 =	simm.s32 $_size_execute0_lowered;
	s4 =	sadd.s32 s4, s5;
	[dreg:$0x0] =	wrdreg $0x0  }
0xa9: {  	s5 =	sshll.u32 s28, $0x1;
	[dreg:$0x2] =	wrdreg s4  }
0xaa: {  	[dreg:$0x3] =	wrdreg s5  }
0xab: {  	[dreg:$0x4] =	wrdreg $0xC0  }
0xac: {  	_ =	task [dreg:s8], $0x5FFFF  }
0xad: {  	[dreg:$0x1] =	wrdreg $0xFFFFFFFF  }
0xae: {  	[dreg:$0x0] =	wrdreg $0x60  }
0xaf: {  	[dreg:$0x2] =	wrdreg s2  }
0xb0: {  	[dreg:$0x3] =	wrdreg s19  }
0xb1: {  	[dreg:$0x4] =	wrdreg $0x9  }
0xb2: {  	_ =	task.clear_ibuf [dreg:s8], $0x5FFFF;
	_ =	strace $0x90000046  }
0xb3: {  	s29 =	simm.s32 $0x9;
	_ =	strace $0x80000048  }
0xb4: {  	_ =	swait.ge [sflag:s29], $0x1  }
0xb5: {  	[sflag:s29] =	ssyncadd.s32 $0xFFFFFFFF  }
0xb6: {  	_ =	strace $0x90000048  }
0xb7: {  	_ =	sfence  }
0xb8: {  	s30 =	sld [smem:$0x0];
	_ =	sdelay $0x2  }
0xb9: {  	s31 =	sshll.u32 s1, $0xD;
	s1 =	sshrl.u32 s1, $0x2  }
0xba: {  	s3 =	sand.u32 $0x4000, s31;
	s1 =	sadd.s32 s1, s30  }
0xbb: {  	s0 =	sor.u32 s3, s0;
	s1 =	sshll.u32 s1, $0x11  }
0xbc: {  	s0 =	sor.u32 s1, s0  }
0xbd: {  	s0 =	sadd.s32 $0x8F2B, s0  }
0xbe: {  	[sflag:s0] =	ssyncadd.remote.s32 $0x1  }
0xbf: {  	_ =	sfence.sel $0xFFFF  }
0xc0: {  	[dreg:$0x0] =	wrdreg $0xFFFFFFFF;
	(pc) =	sbr.abs _section_cstart, $3  }
0xc1: {  	[dreg:$0x1] =	wrdreg $0xFFFFFFFF  }
0xc2: {  	_ =	task.clear_ibuf [dreg:s8], $0x2FFFF;
	_ =	strace $0x9FFFFFFF  }
0xc3: {  	(tm) =	ssettm $0x7FFFFFFF  }
tec
execute0_lowered:
.L_overlay_start_1:
0x0: {  	(tag) =	ssettag $0x1  }
0x1: {  	s0 =	rddreg [dreg:$0x0]  }
0x2: {  	s2 =	rddreg [dreg:$0x1]  }
0x3: {  	s1 =	srdreg.scid;
	s3 =	stileid.u32  }
0x4: {  	s13 =	simm.s32 $0x400;
	s14 =	simm.s32 $0x7A1400;
	s15 =	simm.s32 $0x1000  }
0x5: {  	s16 =	simm.s32 $0x1;
	s17 =	simm.s32 $0x2000;
	s18 =	simm.s32 $0x4000  }
0x6: {  	s19 =	simm.s32 $0x2;
	s20 =	simm.s32 $0x3000;
	s21 =	simm.s32 $0x5000  }
0x7: {  	s22 =	simm.s32 $0x3;
	s23 =	simm.s32 $0x5;
	s24 =	simm.s32 $0x4  }
0x8: {  	s25 =	simm.s32 $0x6;
	s26 =	simm.s32 $0x0;
	s1 =	sand.u32 $0x1, s1  }
0x9: {  	s4 =	sshll.u32 s3, $0x1;
	s3 =	simm.s32 $0x0;
	s5 =	ssub.s32 $0x2, s1  }
0xa: {  	s1 =	sor.u32 s1, s4;
	[smem:$0x7FF] =	sst s3;
	s29 =	sshrl.u32 s5, $0x1  }
0xb: {  	s6 =	sshll.u32 s1, $0x7;
	_ =	strace $0x80000047;
	s12 =	sshll.u32 s1, $0x9  }
0xc: {  	v0 =	vlaneseq.u32;
	s10 =	sor.u32 $0x1E80, s1;
	p0 =	sgt.u32 s1, $0x4;
	s11 =	ssub.s32 s5, s29  }
.Ltmp0:
0xd: {  	v1 =	vmul.u32 $0x20, v0;
	v2 =	vor.u32 $0x10, v0;
	v4 =	vor.u32 $0x20, v0;
	s4 =	sadd.s32 s0, s6;
	s6 =	sadd.s32 s2, s12;
	(pc) =	sbr.rel .LBB2_1-.Ltmp0, $4  }
0xe: {  	v6 =	vor.u32 $0x30, v0;
	v8 =	vor.u32 $0x40, v0;
	v10 =	vor.u32 $0x50, v0;
	s9 =	sshll.u32 s10, $0x7;
	s31 =	sshll.u32 s10, $0x9;
	s30 =	sadd.s32 $0x1000, s4  }
0xf: {  	v12 =	vor.u32 $0x60, v0;
	v14 =	vor.u32 $0x70, v0;
	v3 =	vor.u32 $0x200, v1;
	s12 =	sor.u32 $0x4000, s12;
	s0 =	sadd.s32 s0, s9;
	[dreg:$0x3] =	wrdreg s30  }
0x10: {  	v5 =	vor.u32 $0x400, v1;
	v7 =	vor.u32 $0x600, v1;
	v9 =	vor.u32 $0x800, v1;
	s7 =	sadd.s32 $0x4000, s4;
	[dreg:$0x4] =	wrdreg s0;
	s0 =	sadd.s32 s2, s31  }
0x11: {  	v11 =	vor.u32 $0xA00, v1;
	v13 =	vor.u32 $0xC00, v1;
	v15 =	vor.u32 $0xE00, v1;
	s8 =	sadd.s32 $0x5000, s4;
	s11 =	smax.u32 s11, $0x1;
	[dreg:$0x5] =	wrdreg s0  }
.LBB2_15:
0x12: {  	s26 =	sadd.s32 $0x1, s26  }
0x13: {  	p1 =	sne.s32 s26, s11  }
.Ltmp1:
0x14: {  	_ = 	snop;
	(pc) =	sbr.rel @!p1 .LBB2_16-.Ltmp1, $1  }
0x15: {  	_ =	sdelay $0x3  }
.LBB2_1:
0x16: {  	[tilespmem:s3], [sflag:$0x1] =	stream.strided.gather [hbm4b:s4+s13], $0x1000, s14, s13, $0x38;
	[tilespmem:$0x6000] =	vst v63  }
0x17: {  	s0 =	rddreg [dreg:$0x3];
	s28 =	simm.s32 $0x0  }
0x18: {  	[tilespmem:s15], [sflag:$0x2] =	stream.strided.gather [hbm4b:s0+s13], $0x1000, s14, s13, $0x38;
	[tilespmem:$0x6000] =	vst v63  }
.LBB2_2:
0x19: {  	s0 =	simm.s32 $0x0  }
0x1a: {  	s30 =	sshll.u32 s28, $0x2;
	_ =	swait.ge [sflag:s16], $0x1000;
	s9 =	simm.s32 $0x2;
	v16 =	vadd.s32 s0, v0  }
0x1b: {  	p1 =	seq.s32 s28, $0x0;
	s10 =	simm.s32 $0x1;
	s29 =	sor.u32 $0x2, s30;
	v37 =	vand.u32 $0x1F, v16  }
0x1c: {  	s31 =	simm.s32 $0x3;
	[sflag:s16] =	ssyncset.done $0x0;
	s1 =	sshll.u32 s29, $0xC;
	v16 =	vadd.s32 s9, v0;
	v36 =	vshll.u32 v37, $0x7  }
0x1d: {  	[sflag:s16] =	ssyncadd.s32 $0xFFFFF000;
	s5 =	sadd.s32 s1, s4;
	v31 =	vand.u32 $0x1F, v16;
	s1 =	simm.s32 @!p1 $0x5;
	v17 =	vor.u32 v0, v36  }
0x1e: {  	v16 =	vadd.s32 s10, v0;
	[tilespmem:s17], [sflag:$0x3] =	stream.strided.gather [hbm4b:s5+s13], $0x1000, s14, s13, $0x38;
	v30 =	vshll.u32 v31, $0x7;
	[tilespmem:$0x6000] =	vst v63  }
0x1f: {  	v18 =	vadd.s32 s31, v0;
	v34 =	vand.u32 $0x1F, v16;
	_ =	swait.ge @!p1 [sflag:s1], $0x1000;
	v16 =	vor.u32 v0, v30  }
0x20: {  	v32 =	vand.u32 $0x1F, v18;
	v35 =	vshll.u32 v34, $0x7;
	[sflag:s1] =	ssyncset.done @!p1 $0x0  }
0x21: {  	v33 =	vshll.u32 v32, $0x7;
	v18 =	vor.u32 v0, v35;
	[sflag:s1] =	ssyncadd.s32 @!p1 $0xFFFFF000  }
0x22: {  	v20 =	vor.u32 v1, v37;
	v19 =	vor.u32 v0, v33;
	v17 =	vld.idx.msk [tilespmem:v17+s3+$0x0], $0xffff  }
0x23: {  	v21 =	vor.u32 v2, v36  }
0x24: {  	v22 =	vor.u32 v1, v31;
	v16 =	vld.idx.msk [tilespmem:v16+s3+$0x0], $0xffff  }
0x25: {  	v23 =	vor.u32 v2, v30  }
0x26: {  	v24 =	vor.u32 v1, v34;
	v18 =	vld.idx.msk [tilespmem:v18+s3+$0x0], $0xffff  }
0x27: {  	v19 =	vld.idx.msk [tilespmem:v19+s3+$0x0], $0xffff;
	[tilespmem:v20+s18+$0x0] =	vst.idx.msk $0xffff, v17;
	v17 =	vor.u32 v1, v32;
	v20 =	vor.u32 v2, v35  }
0x28: {  	v25 =	vor.u32 v3, v37;
	v26 =	vor.u32 v2, v33;
	v21 =	vld.idx.msk [tilespmem:v21+s3+$0x0], $0xffff  }
0x29: {  	[tilespmem:v22+s18+$0x0] =	vst.idx.msk $0xffff, v16;
	v16 =	vor.u32 v4, v36  }
0x2a: {  	v22 =	vld.idx.msk [tilespmem:v23+s3+$0x0], $0xffff;
	v23 =	vor.u32 v3, v31  }
0x2b: {  	[tilespmem:v24+s18+$0x0] =	vst.idx.msk $0xffff, v18;
	v18 =	vor.u32 v4, v30  }
0x2c: {  	[tilespmem:v17+s18+$0x0] =	vst.idx.msk $0xffff, v19;
	v17 =	vld.idx.msk [tilespmem:v20+s3+$0x0], $0xffff;
	v19 =	vor.u32 v3, v34  }
0x2d: {  	v24 =	vor.u32 v3, v32;
	[tilespmem:v25+s18+$0x0] =	vst.idx.msk $0xffff, v21;
	v20 =	vld.idx.msk [tilespmem:v26+s3+$0x0], $0xffff;
	v21 =	vor.u32 v4, v35  }
0x2e: {  	v26 =	vor.u32 v5, v37;
	v25 =	vld.idx.msk [tilespmem:v16+s3+$0x0], $0xffff  }
0x2f: {  	[tilespmem:v23+s18+$0x0] =	vst.idx.msk $0xffff, v22;
	v22 =	vor.u32 v6, v36  }
0x30: {  	v27 =	vor.u32 v5, v31;
	v23 =	vor.u32 v4, v33;
	v18 =	vld.idx.msk [tilespmem:v18+s3+$0x0], $0xffff  }
0x31: {  	v38 =	vor.u32 v9, v37;
	v58 =	vor.u32 v7, v32;
	[tilespmem:v19+s18+$0x0] =	vst.idx.msk $0xffff, v17  }
0x32: {  	v19 =	vor.u32 v6, v30;
	v21 =	vld.idx.msk [tilespmem:v21+s3+$0x0], $0xffff;
	[tilespmem:v24+s18+$0x0] =	vst.idx.msk $0xffff, v20;
	v20 =	vor.u32 v5, v34  }
0x33: {  	v50 =	vor.u32 v15, v37;
	v24 =	vor.u32 v6, v35;
	[tilespmem:v26+s18+$0x0] =	vst.idx.msk $0xffff, v25  }
0x34: {  	v62 =	vor.u32 v11, v37;
	v29 =	vor.u32 v10, v36;
	v26 =	vor.u32 v7, v37;
	v22 =	vld.idx.msk [tilespmem:v22+s3+$0x0], $0xffff  }
0x35: {  	v25 =	vor.u32 v5, v32;
	v28 =	vld.idx.msk [tilespmem:v23+s3+$0x0], $0xffff;
	[tilespmem:v27+s18+$0x0] =	vst.idx.msk $0xffff, v18;
	v27 =	vor.u32 v8, v36  }
0x36: {  	s5 =	simm.s32 $0x4;
	v40 =	vor.u32 v7, v31;
	v42 =	vor.u32 v6, v33;
	v46 =	vor.u32 v9, v31  }
0x37: {  	v48 =	vor.u32 v8, v33;
	v18 =	vadd.s32 s5, v0;
	v19 =	vld.idx.msk [tilespmem:v19+s3+$0x0], $0xffff;
	[tilespmem:v20+s18+$0x0] =	vst.idx.msk $0xffff, v21  }
0x38: {  	s9 =	simm.s32 $0x5;
	v39 =	vor.u32 v7, v34;
	v18 =	vand.u32 $0x1F, v18;
	v21 =	vor.u32 v8, v30;
	v43 =	vld.idx.msk [tilespmem:v24+s3+$0x0], $0xffff  }
0x39: {  	s31 =	simm.s32 $0x6;
	v41 =	vor.u32 v8, v35;
	v23 =	vshll.u32 v18, $0x7;
	v20 =	vadd.s32 s9, v0;
	[tilespmem:v26+s18+$0x0] =	vst.idx.msk $0xffff, v22  }
0x3a: {  	s10 =	simm.s32 $0x7;
	v44 =	vor.u32 v0, v23;
	v20 =	vand.u32 $0x1F, v20;
	[tilespmem:v25+s18+$0x0] =	vst.idx.msk $0xffff, v28;
	v22 =	vadd.s32 s31, v0;
	v28 =	vld.idx.msk [tilespmem:v27+s3+$0x0], $0xffff  }
0x3b: {  	v24 =	vadd.s32 s10, v0;
	v26 =	vand.u32 $0x1F, v22;
	v27 =	vshll.u32 v20, $0x7  }
0x3c: {  	v25 =	vand.u32 $0x1F, v24;
	v63 =	vld.idx.msk [tilespmem:v42+s3+$0x0], $0xffff;
	[tilespmem:v40+s18+$0x0] =	vst.idx.msk $0xffff, v19;
	v24 =	vshll.u32 v26, $0x7;
	v57 =	vor.u32 v0, v27  }
0x3d: {  	v54 =	vor.u32 v12, v36;
	v40 =	vld.idx.msk [tilespmem:v21+s3+$0x0], $0xffff;
	v45 =	vor.u32 v0, v24;
	[tilespmem:v39+s18+$0x0] =	vst.idx.msk $0xffff, v43  }
0x3e: {  	v47 =	vor.u32 v9, v34;
	v52 =	vor.u32 v10, v35;
	v22 =	vshll.u32 v25, $0x7;
	v41 =	vld.idx.msk [tilespmem:v41+s3+$0x0], $0xffff  }
0x3f: {  	v60 =	vor.u32 v1, v18;
	v49 =	vor.u32 v0, v22;
	v59 =	vld.idx.msk [tilespmem:v44+s3+$0x0], $0xffff;
	[tilespmem:v38+s18+$0x0] =	vst.idx.msk $0xffff, v28  }
0x40: {  	v16 =	vor.u32 v15, v32;
	v17 =	vor.u32 v15, v31;
	v61 =	vor.u32 v2, v23;
	v51 =	vld.idx.msk [tilespmem:v29+s3+$0x0], $0xffff  }
0x41: {  	v37 =	vor.u32 v13, v37;
	v36 =	vor.u32 v14, v36;
	v19 =	vor.u32 v15, v26;
	v42 =	vld.idx.msk [tilespmem:v57+s3+$0x0], $0xffff  }
0x42: {  	v53 =	vor.u32 v1, v26;
	v55 =	vor.u32 v2, v27;
	[tilespmem:v58+s18+$0x0] =	vst.idx.msk $0xffff, v63;
	v45 =	vld.idx.msk [tilespmem:v45+s3+$0x0], $0xffff  }
0x43: {  	v39 =	vor.u32 v1, v20;
	v63 =	vor.u32 v2, v24;
	[tilespmem:v47+s18+$0x0] =	vst.idx.msk $0xffff, v41;
	v41 =	vld.idx.msk [tilespmem:v48+s3+$0x0], $0xffff  }
0x44: {  	[tilespmem:v60+s18+$0x0] =	vst.idx.msk $0xffff, v59;
	v47 =	vld.idx.msk [tilespmem:v49+s3+$0x0], $0xffff;
	v48 =	vor.u32 v10, v30;
	v49 =	vor.u32 v9, v32  }
0x45: {  	v21 =	vor.u32 v15, v25;
	v57 =	vor.u32 v1, v25;
	[tilespmem:v46+s18+$0x0] =	vst.idx.msk $0xffff, v40;
	v40 =	vld.idx.msk [tilespmem:v61+s3+$0x0], $0xffff  }
0x46: {  	v58 =	vor.u32 v10, v33;
	v60 =	vor.u32 v3, v18;
	v44 =	vld.idx.msk [tilespmem:v52+s3+$0x0], $0xffff;
	[tilespmem:v62+s18+$0x0] =	vst.idx.msk $0xffff, v51  }
0x47: {  	v59 =	vor.u32 v11, v34;
	v61 =	vor.u32 v2, v22;
	[tilespmem:v53+s18+$0x0] =	vst.idx.msk $0xffff, v45;
	v53 =	vld.idx.msk [tilespmem:v54+s3+$0x0], $0xffff  }
0x48: {  	v43 =	vor.u32 v12, v35;
	v62 =	vor.u32 v4, v23;
	[tilespmem:v39+s18+$0x0] =	vst.idx.msk $0xffff, v42;
	v39 =	vld.idx.msk [tilespmem:v63+s3+$0x0], $0xffff  }
0x49: {  	v35 =	vor.u32 v14, v35;
	v63 =	vor.u32 v3, v26;
	v48 =	vld.idx.msk [tilespmem:v48+s3+$0x0], $0xffff;
	[tilespmem:v49+s18+$0x0] =	vst.idx.msk $0xffff, v41  }
0x4a: {  	v41 =	vor.u32 v4, v24;
	[tilespmem:v57+s18+$0x0] =	vst.idx.msk $0xffff, v47;
	v57 =	vor.u32 v11, v31;
	v49 =	vld.idx.msk [tilespmem:v55+s3+$0x0], $0xffff  }
0x4b: {  	v28 =	vor.u32 v15, v34;
	[tilespmem:v60+s18+$0x0] =	vst.idx.msk $0xffff, v40;
	v47 =	vld.idx.msk [tilespmem:v58+s3+$0x0], $0xffff;
	v58 =	vor.u32 v11, v32  }
0x4c: {  	v60 =	vor.u32 v12, v30;
	[tilespmem:v59+s18+$0x0] =	vst.idx.msk $0xffff, v44;
	v59 =	vor.u32 v3, v20;
	v45 =	vld.idx.msk [tilespmem:v61+s3+$0x0], $0xffff  }
0x4d: {  	v52 =	vor.u32 v4, v27;
	v61 =	vor.u32 v3, v25;
	v51 =	vld.idx.msk [tilespmem:v62+s3+$0x0], $0xffff;
	[tilespmem:v37+s18+$0x0] =	vst.idx.msk $0xffff, v53  }
0x4e: {  	v62 =	vor.u32 v5, v18;
	v42 =	vld.idx.msk [tilespmem:v43+s3+$0x0], $0xffff;
	[tilespmem:v63+s18+$0x0] =	vst.idx.msk $0xffff, v39;
	v63 =	vor.u32 v4, v22  }
0x4f: {  	v43 =	vor.u32 v6, v23;
	v53 =	vor.u32 v13, v34;
	v41 =	vld.idx.msk [tilespmem:v41+s3+$0x0], $0xffff;
	[tilespmem:v57+s18+$0x0] =	vst.idx.msk $0xffff, v48  }
0x50: {  	v38 =	vor.u32 v5, v26;
	v29 =	vor.u32 v14, v33;
	v57 =	vld.idx.msk [tilespmem:v36+s3+$0x0], $0xffff;
	[tilespmem:v58+s18+$0x0] =	vst.idx.msk $0xffff, v47  }
0x51: {  	[tilespmem:v59+s18+$0x0] =	vst.idx.msk $0xffff, v49;
	v58 =	vor.u32 v6, v24;
	v59 =	vld.idx.msk [tilespmem:v60+s3+$0x0], $0xffff;
	v60 =	vor.u32 v12, v33  }
0x52: {  	[tilespmem:v61+s18+$0x0] =	vst.idx.msk $0xffff, v45;
	v61 =	vor.u32 v13, v31;
	v31 =	vor.u32 v13, v32;
	v52 =	vld.idx.msk [tilespmem:v52+s3+$0x0], $0xffff  }
0x53: {  	[tilespmem:v62+s18+$0x0] =	vst.idx.msk $0xffff, v51;
	v62 =	vor.u32 v5, v20;
	v32 =	vld.idx.msk [tilespmem:v63+s3+$0x0], $0xffff;
	v63 =	vor.u32 v14, v30  }
0x54: {  	v46 =	vor.u32 v7, v26;
	v33 =	vld.idx.msk [tilespmem:v43+s3+$0x0], $0xffff;
	[tilespmem:v53+s18+$0x0] =	vst.idx.msk $0xffff, v42;
	v30 =	vor.u32 v6, v27  }
0x55: {  	v34 =	vor.u32 v5, v25;
	v37 =	vor.u32 v10, v23;
	v39 =	vld.idx.msk [tilespmem:v35+s3+$0x0], $0xffff;
	[tilespmem:v38+s18+$0x0] =	vst.idx.msk $0xffff, v41  }
0x56: {  	v36 =	vor.u32 v7, v18;
	v45 =	vor.u32 v8, v23;
	[tilespmem:v50+s18+$0x0] =	vst.idx.msk $0xffff, v57;
	v44 =	vld.idx.msk [tilespmem:v58+s3+$0x0], $0xffff  }
0x57: {  	v47 =	vor.u32 v8, v24;
	v42 =	vor.u32 v7, v20;
	[tilespmem:v61+s18+$0x0] =	vst.idx.msk $0xffff, v59;
	v40 =	vld.idx.msk [tilespmem:v60+s3+$0x0], $0xffff  }
0x58: {  	s0 =	simm.s32 $0x8;
	v43 =	vor.u32 v8, v27;
	v41 =	vor.u32 v9, v18;
	[tilespmem:v62+s18+$0x0] =	vst.idx.msk $0xffff, v52;
	v38 =	vld.idx.msk [tilespmem:v63+s3+$0x0], $0xffff  }
.LBB2_3:
0x59: {  	v48 =	vadd.s32 s0, v0;
	s1 =	sadd.s32 $0x1, s0;
	v49 =	vld.idx.msk [tilespmem:v30+s3+$0x0], $0xffff;
	v50 =	vor.u32 v6, v22;
	v51 =	vmov v18  }
0x5a: {  	s9 =	sadd.s32 $0x3, s0;
	[tilespmem:v34+s18+$0x0] =	vst.idx.msk $0xffff, v32;
	v52 =	vmovc v23;
	v35 =	vmovc v20;
	v30 =	vmov v26;
	v32 =	vmov v25;
	v34 =	vmov v27;
	s10 =	smov.u32 s0;
	s31 =	sadd.s32 $0x4, s0  }
0x5b: {  	p2 =	slt.u32 s0, $0x1C;
	v18 =	vand.u32 $0x1F, v48;
	v20 =	vadd.s32 s1, v0;
	s1 =	sadd.s32 $0x2, s10;
	v25 =	vadd.s32 s9, v0;
	[tilespmem:v36+s18+$0x0] =	vst.idx.msk $0xffff, v33;
	v33 =	vmovc v24;
	v36 =	vmovc v22  }
0x5c: {  	v23 =	vshll.u32 v18, $0x7;
	v20 =	vand.u32 $0x1F, v20;
	v22 =	vadd.s32 s1, v0;
	v45 =	vld.idx.msk [tilespmem:v45+s3+$0x0], $0xffff;
	[tilespmem:v28+s18+$0x0] =	vst.idx.msk $0xffff, v39;
	v39 =	vmovc v16  }
0x5d: {  	v25 =	vand.u32 $0x1F, v25;
	v16 =	vmovc v21;
	v28 =	vor.u32 v0, v23;
	v26 =	vand.u32 $0x1F, v22;
	[tilespmem:v46+s18+$0x0] =	vst.idx.msk $0xffff, v44  }
0x5e: {  	v27 =	vshll.u32 v20, $0x7;
	v22 =	vshll.u32 v25, $0x7;
	v24 =	vshll.u32 v26, $0x7;
	v44 =	vld.idx.msk [tilespmem:v47+s3+$0x0], $0xffff;
	[tilespmem:v31+s18+$0x0] =	vst.idx.msk $0xffff, v40  }
0x5f: {  	v40 =	vor.u32 v9, v30;
	v31 =	vor.u32 v0, v24;
	[tilespmem:v17+s18+$0x0] =	vst.idx.msk $0xffff, v38;
	v29 =	vld.idx.msk [tilespmem:v29+s3+$0x0], $0xffff  }
0x60: {  	v21 =	vor.u32 v15, v25;
	v38 =	vor.u32 v15, v26;
	[tilespmem:v42+s18+$0x0] =	vst.idx.msk $0xffff, v49;
	v42 =	vld.idx.msk [tilespmem:v50+s3+$0x0], $0xffff  }
0x61: {  	v48 =	vor.u32 v7, v32;
	v46 =	vor.u32 v0, v27;
	v47 =	vor.u32 v9, v35;
	v43 =	vld.idx.msk [tilespmem:v43+s3+$0x0], $0xffff  }
0x62: {  	v17 =	vmov v19;
	v49 =	vor.u32 v0, v22;
	[tilespmem:v41+s18+$0x0] =	vst.idx.msk $0xffff, v45;
	v41 =	vor.u32 v8, v36  }
0x63: {  	v50 =	vor.u32 v15, v51;
	v19 =	vmov v38;
	v45 =	vld.idx.msk [tilespmem:v28+s3+$0x0], $0xffff;
	v28 =	vor.u32 v15, v35  }
0x64: {  	v53 =	vor.u32 v10, v34;
	v38 =	vor.u32 v1, v18;
	v37 =	vld.idx.msk [tilespmem:v37+s3+$0x0], $0xffff;
	[tilespmem:v40+s18+$0x0] =	vst.idx.msk $0xffff, v44  }
0x65: {  	v40 =	vor.u32 v2, v23;
	v44 =	vor.u32 v11, v51;
	v31 =	vld.idx.msk [tilespmem:v31+s3+$0x0], $0xffff;
	[tilespmem:v39+s18+$0x0] =	vst.idx.msk $0xffff, v29  }
0x66: {  	v54 =	vor.u32 v12, v52;
	v39 =	vld.idx.msk [tilespmem:v46+s3+$0x0], $0xffff;
	v46 =	vor.u32 v1, v26;
	[tilespmem:v48+s18+$0x0] =	vst.idx.msk $0xffff, v42  }
0x67: {  	v42 =	vor.u32 v1, v20;
	v48 =	vor.u32 v2, v24;
	[tilespmem:v47+s18+$0x0] =	vst.idx.msk $0xffff, v43;
	v41 =	vld.idx.msk [tilespmem:v41+s3+$0x0], $0xffff  }
0x68: {  	v29 =	vor.u32 v14, v36;
	v47 =	vor.u32 v10, v33;
	v43 =	vld.idx.msk [tilespmem:v49+s3+$0x0], $0xffff;
	v49 =	vor.u32 v9, v32  }
0x69: {  	[tilespmem:v38+s18+$0x0] =	vst.idx.msk $0xffff, v45;
	v38 =	vor.u32 v1, v25;
	v45 =	vld.idx.msk [tilespmem:v53+s3+$0x0], $0xffff;
	v53 =	vor.u32 v10, v36  }
0x6a: {  	v55 =	vor.u32 v2, v27;
	v40 =	vld.idx.msk [tilespmem:v40+s3+$0x0], $0xffff;
	[tilespmem:v44+s18+$0x0] =	vst.idx.msk $0xffff, v37;
	v37 =	vor.u32 v11, v35  }
0x6b: {  	v44 =	vor.u32 v3, v18;
	[tilespmem:v46+s18+$0x0] =	vst.idx.msk $0xffff, v31;
	v31 =	vor.u32 v2, v22;
	v46 =	vld.idx.msk [tilespmem:v54+s3+$0x0], $0xffff  }
0x6c: {  	v54 =	vor.u32 v4, v23;
	[tilespmem:v42+s18+$0x0] =	vst.idx.msk $0xffff, v39;
	v39 =	vld.idx.msk [tilespmem:v48+s3+$0x0], $0xffff;
	v42 =	vor.u32 v13, v51  }
0x6d: {  	v48 =	vor.u32 v3, v26;
	v51 =	vor.u32 v12, v34;
	v47 =	vld.idx.msk [tilespmem:v47+s3+$0x0], $0xffff;
	[tilespmem:v49+s18+$0x0] =	vst.idx.msk $0xffff, v41  }
0x6e: {  	v41 =	vor.u32 v4, v24;
	[tilespmem:v38+s18+$0x0] =	vst.idx.msk $0xffff, v43;
	v38 =	vor.u32 v11, v30;
	v43 =	vld.idx.msk [tilespmem:v53+s3+$0x0], $0xffff  }
0x6f: {  	v52 =	vor.u32 v14, v52;
	v49 =	vld.idx.msk [tilespmem:v55+s3+$0x0], $0xffff;
	[tilespmem:v37+s18+$0x0] =	vst.idx.msk $0xffff, v45;
	v37 =	vor.u32 v11, v32  }
0x70: {  	[tilespmem:v44+s18+$0x0] =	vst.idx.msk $0xffff, v40;
	v40 =	vor.u32 v3, v20;
	v31 =	vld.idx.msk [tilespmem:v31+s3+$0x0], $0xffff;
	v44 =	vor.u32 v12, v33  }
0x71: {  	v53 =	vor.u32 v4, v27;
	v45 =	vld.idx.msk [tilespmem:v54+s3+$0x0], $0xffff;
	v54 =	vor.u32 v3, v25;
	[tilespmem:v42+s18+$0x0] =	vst.idx.msk $0xffff, v46  }
0x72: {  	v42 =	vor.u32 v5, v18;
	[tilespmem:v48+s18+$0x0] =	vst.idx.msk $0xffff, v39;
	v39 =	vor.u32 v4, v22;
	v46 =	vld.idx.msk [tilespmem:v51+s3+$0x0], $0xffff  }
0x73: {  	v35 =	vor.u32 v13, v35;
	v48 =	vor.u32 v6, v23;
	v41 =	vld.idx.msk [tilespmem:v41+s3+$0x0], $0xffff;
	[tilespmem:v38+s18+$0x0] =	vst.idx.msk $0xffff, v47  }
0x74: {  	v51 =	vor.u32 v14, v34;
	v38 =	vor.u32 v5, v26;
	v47 =	vld.idx.msk [tilespmem:v52+s3+$0x0], $0xffff;
	[tilespmem:v37+s18+$0x0] =	vst.idx.msk $0xffff, v43  }
0x75: {  	[tilespmem:v40+s18+$0x0] =	vst.idx.msk $0xffff, v49;
	v40 =	vor.u32 v6, v24;
	v43 =	vld.idx.msk [tilespmem:v44+s3+$0x0], $0xffff;
	v49 =	vor.u32 v12, v36  }
0x76: {  	v52 =	vld.idx.msk [tilespmem:v53+s3+$0x0], $0xffff;
	[tilespmem:v54+s18+$0x0] =	vst.idx.msk $0xffff, v31;
	v53 =	vor.u32 v13, v30;
	v31 =	vor.u32 v13, v32  }
0x77: {  	v55 =	vor.u32 v14, v33;
	v54 =	vor.u32 v5, v20;
	[tilespmem:v42+s18+$0x0] =	vst.idx.msk $0xffff, v45;
	v32 =	vld.idx.msk [tilespmem:v39+s3+$0x0], $0xffff  }
.Ltmp2:
0x78: {  	v34 =	vor.u32 v5, v25;
	v30 =	vor.u32 v6, v27;
	v33 =	vld.idx.msk [tilespmem:v48+s3+$0x0], $0xffff;
	[tilespmem:v35+s18+$0x0] =	vst.idx.msk $0xffff, v46;
	(pc) =	sbr.rel @p2 .LBB2_3-.Ltmp2, $4  }
0x79: {  	v37 =	vor.u32 v10, v23;
	v36 =	vor.u32 v7, v18;
	[tilespmem:v38+s18+$0x0] =	vst.idx.msk $0xffff, v41;
	v39 =	vld.idx.msk [tilespmem:v51+s3+$0x0], $0xffff  }
0x7a: {  	v45 =	vor.u32 v8, v23;
	v41 =	vor.u32 v9, v18;
	v44 =	vld.idx.msk [tilespmem:v40+s3+$0x0], $0xffff;
	[tilespmem:v50+s18+$0x0] =	vst.idx.msk $0xffff, v47  }
0x7b: {  	v42 =	vor.u32 v7, v20;
	v46 =	vor.u32 v7, v26;
	[tilespmem:v53+s18+$0x0] =	vst.idx.msk $0xffff, v43;
	v40 =	vld.idx.msk [tilespmem:v49+s3+$0x0], $0xffff  }
0x7c: {  	s0 =	smov.u32 s31;
	v47 =	vor.u32 v8, v24;
	v43 =	vor.u32 v8, v27;
	[tilespmem:v54+s18+$0x0] =	vst.idx.msk $0xffff, v52;
	v38 =	vld.idx.msk [tilespmem:v55+s3+$0x0], $0xffff  }
0x7d: {  	v35 =	vor.u32 v6, v22;
	_ =	sdelay $0x3  }
0x7e: {  	v30 =	vld.idx.msk [tilespmem:v30+s3+$0x0], $0xffff;
	[tilespmem:v34+s18+$0x0] =	vst.idx.msk $0xffff, v32  }
0x7f: {  	v53 =	vor.u32 v7, v25;
	v32 =	vld.idx.msk [tilespmem:v35+s3+$0x0], $0xffff  }
0x80: {  	v54 =	vor.u32 v8, v22  }
0x81: {  	[tilespmem:v36+s18+$0x0] =	vst.idx.msk $0xffff, v33  }
0x82: {  	v33 =	vld.idx.msk [tilespmem:v45+s3+$0x0], $0xffff;
	[tilespmem:v46+s18+$0x0] =	vst.idx.msk $0xffff, v44  }
0x83: {  	v57 =	vor.u32 v9, v26;
	v56 =	vld.idx.msk [tilespmem:v47+s3+$0x0], $0xffff;
	[tilespmem:v42+s18+$0x0] =	vst.idx.msk $0xffff, v30  }
0x84: {  	v55 =	vor.u32 v9, v20;
	v59 =	vor.u32 v10, v24;
	v30 =	vld.idx.msk [tilespmem:v43+s3+$0x0], $0xffff;
	[tilespmem:v53+s18+$0x0] =	vst.idx.msk $0xffff, v32  }
0x85: {  	v58 =	vor.u32 v10, v27;
	v60 =	vor.u32 v9, v25;
	v32 =	vld.idx.msk [tilespmem:v54+s3+$0x0], $0xffff  }
0x86: {  	v61 =	vor.u32 v10, v22  }
0x87: {  	[tilespmem:v41+s18+$0x0] =	vst.idx.msk $0xffff, v33  }
0x88: {  	v62 =	vor.u32 v11, v18;
	v33 =	vld.idx.msk [tilespmem:v37+s3+$0x0], $0xffff;
	[tilespmem:v57+s18+$0x0] =	vst.idx.msk $0xffff, v56  }
0x89: {  	v49 =	vor.u32 v11, v26;
	v34 =	vld.idx.msk [tilespmem:v59+s3+$0x0], $0xffff;
	[tilespmem:v55+s18+$0x0] =	vst.idx.msk $0xffff, v30;
	v30 =	vor.u32 v12, v23  }
0x8a: {  	v63 =	vor.u32 v11, v20;
	v51 =	vor.u32 v12, v24;
	v36 =	vld.idx.msk [tilespmem:v58+s3+$0x0], $0xffff;
	[tilespmem:v60+s18+$0x0] =	vst.idx.msk $0xffff, v32  }
0x8b: {  	v48 =	vor.u32 v12, v27;
	v50 =	vor.u32 v11, v25;
	v35 =	vld.idx.msk [tilespmem:v61+s3+$0x0], $0xffff  }
0x8c: {  	v52 =	vor.u32 v12, v22  }
0x8d: {  	[tilespmem:v62+s18+$0x0] =	vst.idx.msk $0xffff, v33  }
0x8e: {  	v53 =	vor.u32 v13, v18;
	[tilespmem:v49+s18+$0x0] =	vst.idx.msk $0xffff, v34;
	v30 =	vld.idx.msk [tilespmem:v30+s3+$0x0], $0xffff  }
0x8f: {  	v26 =	vor.u32 v13, v26;
	v23 =	vor.u32 v14, v23;
	v32 =	vld.idx.msk [tilespmem:v51+s3+$0x0], $0xffff;
	[tilespmem:v63+s18+$0x0] =	vst.idx.msk $0xffff, v36  }
0x90: {  	v24 =	vor.u32 v14, v24;
	v54 =	vor.u32 v13, v20;
	v36 =	vld.idx.msk [tilespmem:v48+s3+$0x0], $0xffff;
	[tilespmem:v50+s18+$0x0] =	vst.idx.msk $0xffff, v35  }
0x91: {  	v27 =	vor.u32 v14, v27;
	v25 =	vor.u32 v13, v25;
	[tilespmem:v28+s18+$0x0] =	vst.idx.msk $0xffff, v39;
	v28 =	vld.idx.msk [tilespmem:v52+s3+$0x0], $0xffff  }
0x92: {  	v22 =	vor.u32 v14, v22;
	[tilespmem:v31+s18+$0x0] =	vst.idx.msk $0xffff, v40  }
0x93: {  	v29 =	vld.idx.msk [tilespmem:v29+s3+$0x0], $0xffff;
	[tilespmem:v53+s18+$0x0] =	vst.idx.msk $0xffff, v30  }
0x94: {  	v18 =	vor.u32 v15, v18;
	[tilespmem:v26+s18+$0x0] =	vst.idx.msk $0xffff, v32;
	v23 =	vld.idx.msk [tilespmem:v23+s3+$0x0], $0xffff  }
0x95: {  	v24 =	vld.idx.msk [tilespmem:v24+s3+$0x0], $0xffff;
	[tilespmem:v54+s18+$0x0] =	vst.idx.msk $0xffff, v36  }
0x96: {  	v20 =	vor.u32 v15, v20;
	v27 =	vld.idx.msk [tilespmem:v27+s3+$0x0], $0xffff;
	[tilespmem:v25+s18+$0x0] =	vst.idx.msk $0xffff, v28  }
0x97: {  	[tilespmem:v17+s18+$0x0] =	vst.idx.msk $0xffff, v38;
	v17 =	vld.idx.msk [tilespmem:v22+s3+$0x0], $0xffff  }
0x98: {  	[tilespmem:v16+s18+$0x0] =	vst.idx.msk $0xffff, v29  }
0x99: {  	[tilespmem:v18+s18+$0x0] =	vst.idx.msk $0xffff, v23  }
0x9a: {  	[tilespmem:v19+s18+$0x0] =	vst.idx.msk $0xffff, v24  }
0x9b: {  	s31 =	sshll.u32 s28, $0x10;
	s30 =	sor.u32 $0x3, s30;
	[tilespmem:v20+s18+$0x0] =	vst.idx.msk $0xffff, v27  }
0x9c: {  	s10 =	simm.s32 $0x0;
	s9 =	simm.s32 $0x2;
	s0 =	sadd.s32 s31, s6;
	[tilespmem:v21+s18+$0x0] =	vst.idx.msk $0xffff, v17  }
0x9d: {  	v16 =	vadd.s32 s10, v0;
	[hbm4b:s0+s3] =	stream.linear.scatter [tilespmem:s18], [sflag:$0x5], $0x1000, $0x38;
	[tilespmem:$0x6000] =	vst v63  }
0x9e: {  	s1 =	sshll.u32 s30, $0xC;
	v37 =	vand.u32 $0x1F, v16;
	v16 =	vadd.s32 s9, v0;
	_ =	swait.ge [sflag:s19], $0x1000  }
0x9f: {  	s5 =	sadd.s32 s1, s4;
	s10 =	simm.s32 $0x1;
	v31 =	vand.u32 $0x1F, v16;
	v36 =	vshll.u32 v37, $0x7;
	[sflag:s19] =	ssyncset.done $0x0  }
0xa0: {  	s1 =	simm.s32 @!p1 $0x6;
	s9 =	simm.s32 $0x3;
	v16 =	vadd.s32 s10, v0;
	v30 =	vshll.u32 v31, $0x7;
	v17 =	vor.u32 v0, v36;
	[sflag:s19] =	ssyncadd.s32 $0xFFFFF000  }
0xa1: {  	v34 =	vand.u32 $0x1F, v16;
	v16 =	vor.u32 v0, v30;
	[tilespmem:s20], [sflag:$0x4] =	stream.strided.gather [hbm4b:s5+s13], $0x1000, s14, s13, $0x38;
	[tilespmem:$0x6000] =	vst v63  }
0xa2: {  	v18 =	vadd.s32 s9, v0;
	_ =	swait.ge @!p1 [sflag:s1], $0x1000  }
0xa3: {  	v35 =	vshll.u32 v34, $0x7;
	v32 =	vand.u32 $0x1F, v18;
	[sflag:s1] =	ssyncset.done @!p1 $0x0  }
0xa4: {  	v18 =	vor.u32 v0, v35;
	v33 =	vshll.u32 v32, $0x7;
	[sflag:s1] =	ssyncadd.s32 @!p1 $0xFFFFF000  }
0xa5: {  	v20 =	vor.u32 v1, v37;
	v19 =	vor.u32 v0, v33;
	v17 =	vld.idx.msk [tilespmem:v17+s15+$0x0], $0xffff  }
0xa6: {  	v22 =	vor.u32 v1, v31;
	v21 =	vor.u32 v2, v36;
	v16 =	vld.idx.msk [tilespmem:v16+s15+$0x0], $0xffff  }
0xa7: {  	v23 =	vor.u32 v2, v30;
	_ =	sdelay $0x1  }
0xa8: {  	v24 =	vor.u32 v1, v34;
	v18 =	vld.idx.msk [tilespmem:v18+s15+$0x0], $0xffff  }
0xa9: {  	v19 =	vld.idx.msk [tilespmem:v19+s15+$0x0], $0xffff;
	[tilespmem:v20+s21+$0x0] =	vst.idx.msk $0xffff, v17;
	v17 =	vor.u32 v1, v32;
	v20 =	vor.u32 v2, v35  }
0xaa: {  	v25 =	vor.u32 v3, v37;
	v26 =	vor.u32 v2, v33;
	[tilespmem:v22+s21+$0x0] =	vst.idx.msk $0xffff, v16;
	v21 =	vld.idx.msk [tilespmem:v21+s15+$0x0], $0xffff  }
0xab: {  	v16 =	vor.u32 v4, v36;
	v22 =	vld.idx.msk [tilespmem:v23+s15+$0x0], $0xffff;
	v23 =	vor.u32 v3, v31;
	_ =	sdelay $0x1  }
0xac: {  	[tilespmem:v24+s21+$0x0] =	vst.idx.msk $0xffff, v18;
	v18 =	vor.u32 v4, v30  }
0xad: {  	[tilespmem:v17+s21+$0x0] =	vst.idx.msk $0xffff, v19;
	v17 =	vld.idx.msk [tilespmem:v20+s15+$0x0], $0xffff;
	v19 =	vor.u32 v3, v34  }
0xae: {  	v24 =	vor.u32 v3, v32;
	[tilespmem:v25+s21+$0x0] =	vst.idx.msk $0xffff, v21;
	v20 =	vld.idx.msk [tilespmem:v26+s15+$0x0], $0xffff;
	v21 =	vor.u32 v4, v35  }
0xaf: {  	v26 =	vor.u32 v5, v37;
	[tilespmem:v23+s21+$0x0] =	vst.idx.msk $0xffff, v22;
	v23 =	vor.u32 v4, v33;
	v25 =	vld.idx.msk [tilespmem:v16+s15+$0x0], $0xffff  }
0xb0: {  	v22 =	vor.u32 v6, v36  }
0xb1: {  	v27 =	vor.u32 v5, v31;
	v18 =	vld.idx.msk [tilespmem:v18+s15+$0x0], $0xffff  }
0xb2: {  	v55 =	vor.u32 v9, v37;
	[tilespmem:v19+s21+$0x0] =	vst.idx.msk $0xffff, v17;
	v19 =	vor.u32 v6, v30  }
0xb3: {  	v57 =	vor.u32 v7, v31;
	v21 =	vld.idx.msk [tilespmem:v21+s15+$0x0], $0xffff;
	[tilespmem:v24+s21+$0x0] =	vst.idx.msk $0xffff, v20;
	v20 =	vor.u32 v5, v34  }
0xb4: {  	v24 =	vor.u32 v6, v35;
	[tilespmem:v26+s21+$0x0] =	vst.idx.msk $0xffff, v25;
	v25 =	vor.u32 v5, v32;
	v28 =	vld.idx.msk [tilespmem:v23+s15+$0x0], $0xffff  }
0xb5: {  	v62 =	vor.u32 v9, v31;
	v56 =	vor.u32 v7, v34;
	v26 =	vor.u32 v7, v37;
	v22 =	vld.idx.msk [tilespmem:v22+s15+$0x0], $0xffff  }
0xb6: {  	v50 =	vor.u32 v15, v37;
	s1 =	simm.s32 $0x4;
	[tilespmem:v27+s21+$0x0] =	vst.idx.msk $0xffff, v18;
	v27 =	vor.u32 v8, v36  }
0xb7: {  	v58 =	vor.u32 v8, v35;
	v59 =	vor.u32 v6, v33;
	v18 =	vadd.s32 s1, v0;
	v19 =	vld.idx.msk [tilespmem:v19+s15+$0x0], $0xffff  }
0xb8: {  	v52 =	vor.u32 v10, v35;
	s9 =	simm.s32 $0x7;
	v18 =	vand.u32 $0x1F, v18;
	[tilespmem:v20+s21+$0x0] =	vst.idx.msk $0xffff, v21;
	v21 =	vor.u32 v8, v30  }
0xb9: {  	s10 =	simm.s32 $0x6;
	v43 =	vor.u32 v12, v35;
	v23 =	vshll.u32 v18, $0x7;
	v60 =	vld.idx.msk [tilespmem:v24+s15+$0x0], $0xffff;
	v24 =	vadd.s32 s9, v0;
	[tilespmem:v25+s21+$0x0] =	vst.idx.msk $0xffff, v28  }
0xba: {  	s5 =	simm.s32 $0x5;
	v61 =	vor.u32 v0, v23;
	[tilespmem:v26+s21+$0x0] =	vst.idx.msk $0xffff, v22;
	v22 =	vadd.s32 s10, v0;
	v25 =	vand.u32 $0x1F, v24  }
0xbb: {  	v20 =	vadd.s32 s5, v0;
	v28 =	vld.idx.msk [tilespmem:v27+s15+$0x0], $0xffff;
	v26 =	vand.u32 $0x1F, v22;
	v22 =	vshll.u32 v25, $0x7  }
0xbc: {  	v63 =	vld.idx.msk [tilespmem:v59+s15+$0x0], $0xffff;
	[tilespmem:v57+s21+$0x0] =	vst.idx.msk $0xffff, v19;
	v57 =	vor.u32 v7, v32;
	v49 =	vor.u32 v0, v22  }
0xbd: {  	v29 =	vor.u32 v10, v36;
	v20 =	vand.u32 $0x1F, v20;
	v24 =	vshll.u32 v26, $0x7;
	v40 =	vld.idx.msk [tilespmem:v21+s15+$0x0], $0xffff  }
0xbe: {  	v54 =	vor.u32 v12, v36;
	v27 =	vshll.u32 v20, $0x7;
	v45 =	vor.u32 v0, v24  }
0xbf: {  	v59 =	vld.idx.msk [tilespmem:v61+s15+$0x0], $0xffff;
	[tilespmem:v56+s21+$0x0] =	vst.idx.msk $0xffff, v60;
	v56 =	vor.u32 v0, v27;
	v60 =	vor.u32 v1, v18  }
0xc0: {  	v48 =	vor.u32 v8, v33;
	v41 =	vld.idx.msk [tilespmem:v58+s15+$0x0], $0xffff;
	v58 =	vor.u32 v9, v34;
	[tilespmem:v55+s21+$0x0] =	vst.idx.msk $0xffff, v28  }
0xc1: {  	v61 =	vor.u32 v2, v23;
	[tilespmem:v57+s21+$0x0] =	vst.idx.msk $0xffff, v63;
	v47 =	vld.idx.msk [tilespmem:v49+s15+$0x0], $0xffff;
	v57 =	vor.u32 v1, v25  }
0xc2: {  	v16 =	vor.u32 v15, v32;
	v51 =	vld.idx.msk [tilespmem:v29+s15+$0x0], $0xffff;
	[tilespmem:v62+s21+$0x0] =	vst.idx.msk $0xffff, v40;
	v62 =	vor.u32 v11, v37  }
0xc3: {  	v17 =	vor.u32 v15, v31;
	v35 =	vor.u32 v14, v35;
	v53 =	vor.u32 v1, v26;
	v45 =	vld.idx.msk [tilespmem:v45+s15+$0x0], $0xffff  }
0xc4: {  	v39 =	vor.u32 v1, v20;
	v63 =	vor.u32 v2, v24;
	v42 =	vld.idx.msk [tilespmem:v56+s15+$0x0], $0xffff;
	[tilespmem:v60+s21+$0x0] =	vst.idx.msk $0xffff, v59  }
0xc5: {  	v49 =	vor.u32 v9, v32;
	[tilespmem:v58+s21+$0x0] =	vst.idx.msk $0xffff, v41;
	v41 =	vld.idx.msk [tilespmem:v48+s15+$0x0], $0xffff;
	v48 =	vor.u32 v10, v30  }
0xc6: {  	v60 =	vor.u32 v3, v18;
	v40 =	vld.idx.msk [tilespmem:v61+s15+$0x0], $0xffff;
	v61 =	vor.u32 v2, v22;
	[tilespmem:v57+s21+$0x0] =	vst.idx.msk $0xffff, v47  }
0xc7: {  	v59 =	vor.u32 v11, v34;
	v58 =	vor.u32 v10, v33;
	v44 =	vld.idx.msk [tilespmem:v52+s15+$0x0], $0xffff;
	[tilespmem:v62+s21+$0x0] =	vst.idx.msk $0xffff, v51  }
0xc8: {  	v55 =	vor.u32 v2, v27;
	v37 =	vor.u32 v13, v37;
	[tilespmem:v53+s21+$0x0] =	vst.idx.msk $0xffff, v45;
	v53 =	vld.idx.msk [tilespmem:v54+s15+$0x0], $0xffff  }
0xc9: {  	v36 =	vor.u32 v14, v36;
	[tilespmem:v39+s21+$0x0] =	vst.idx.msk $0xffff, v42;
	v39 =	vld.idx.msk [tilespmem:v63+s15+$0x0], $0xffff;
	v63 =	vor.u32 v3, v26  }
0xca: {  	v57 =	vor.u32 v11, v31;
	v62 =	vor.u32 v4, v23;
	v48 =	vld.idx.msk [tilespmem:v48+s15+$0x0], $0xffff;
	[tilespmem:v49+s21+$0x0] =	vst.idx.msk $0xffff, v41  }
0xcb: {  	v41 =	vor.u32 v4, v24;
	[tilespmem:v60+s21+$0x0] =	vst.idx.msk $0xffff, v40;
	v45 =	vld.idx.msk [tilespmem:v61+s15+$0x0], $0xffff;
	v61 =	vor.u32 v3, v25  }
0xcc: {  	v19 =	vor.u32 v15, v26;
	v47 =	vld.idx.msk [tilespmem:v58+s15+$0x0], $0xffff;
	[tilespmem:v59+s21+$0x0] =	vst.idx.msk $0xffff, v44;
	v58 =	vor.u32 v11, v32  }
0xcd: {  	v49 =	vld.idx.msk [tilespmem:v55+s15+$0x0], $0xffff;
	v60 =	vor.u32 v12, v30;
	v59 =	vor.u32 v3, v20;
	[tilespmem:v37+s21+$0x0] =	vst.idx.msk $0xffff, v53  }
0xce: {  	v38 =	vor.u32 v5, v26;
	v52 =	vor.u32 v4, v27;
	v42 =	vld.idx.msk [tilespmem:v43+s15+$0x0], $0xffff;
	[tilespmem:v63+s21+$0x0] =	vst.idx.msk $0xffff, v39  }
0xcf: {  	v51 =	vld.idx.msk [tilespmem:v62+s15+$0x0], $0xffff;
	v62 =	vor.u32 v5, v18;
	v63 =	vor.u32 v4, v22;
	[tilespmem:v57+s21+$0x0] =	vst.idx.msk $0xffff, v48  }
0xd0: {  	v43 =	vor.u32 v6, v23;
	v53 =	vor.u32 v13, v34;
	v41 =	vld.idx.msk [tilespmem:v41+s15+$0x0], $0xffff;
	[tilespmem:v61+s21+$0x0] =	vst.idx.msk $0xffff, v45  }
0xd1: {  	v46 =	vor.u32 v7, v26;
	v21 =	vor.u32 v15, v25;
	v57 =	vld.idx.msk [tilespmem:v36+s15+$0x0], $0xffff;
	[tilespmem:v58+s21+$0x0] =	vst.idx.msk $0xffff, v47  }
0xd2: {  	v28 =	vor.u32 v15, v34;
	[tilespmem:v59+s21+$0x0] =	vst.idx.msk $0xffff, v49;
	v58 =	vor.u32 v6, v24;
	v59 =	vld.idx.msk [tilespmem:v60+s15+$0x0], $0xffff  }
0xd3: {  	v61 =	vor.u32 v13, v31;
	v31 =	vor.u32 v13, v32;
	v60 =	vor.u32 v12, v33;
	v52 =	vld.idx.msk [tilespmem:v52+s15+$0x0], $0xffff  }
0xd4: {  	[tilespmem:v62+s21+$0x0] =	vst.idx.msk $0xffff, v51;
	v62 =	vor.u32 v5, v20;
	v32 =	vld.idx.msk [tilespmem:v63+s15+$0x0], $0xffff;
	v63 =	vor.u32 v14, v30  }
0xd5: {  	v29 =	vor.u32 v14, v33;
	v33 =	vld.idx.msk [tilespmem:v43+s15+$0x0], $0xffff;
	v30 =	vor.u32 v6, v27;
	[tilespmem:v53+s21+$0x0] =	vst.idx.msk $0xffff, v42  }
0xd6: {  	v34 =	vor.u32 v5, v25;
	v37 =	vor.u32 v10, v23;
	[tilespmem:v38+s21+$0x0] =	vst.idx.msk $0xffff, v41;
	v39 =	vld.idx.msk [tilespmem:v35+s15+$0x0], $0xffff  }
0xd7: {  	v36 =	vor.u32 v7, v18;
	v45 =	vor.u32 v8, v23;
	[tilespmem:v50+s21+$0x0] =	vst.idx.msk $0xffff, v57;
	v44 =	vld.idx.msk [tilespmem:v58+s15+$0x0], $0xffff  }
0xd8: {  	v47 =	vor.u32 v8, v24;
	v42 =	vor.u32 v7, v20;
	[tilespmem:v61+s21+$0x0] =	vst.idx.msk $0xffff, v59;
	v40 =	vld.idx.msk [tilespmem:v60+s15+$0x0], $0xffff  }
0xd9: {  	s0 =	simm.s32 $0x8;
	v43 =	vor.u32 v8, v27;
	v41 =	vor.u32 v9, v18;
	[tilespmem:v62+s21+$0x0] =	vst.idx.msk $0xffff, v52;
	v38 =	vld.idx.msk [tilespmem:v63+s15+$0x0], $0xffff  }
.LBB2_5:
0xda: {  	v48 =	vadd.s32 s0, v0;
	s9 =	sadd.s32 $0x1, s0;
	v49 =	vld.idx.msk [tilespmem:v30+s15+$0x0], $0xffff;
	v50 =	vor.u32 v6, v22;
	v51 =	vmov v18  }
0xdb: {  	s10 =	sadd.s32 $0x3, s0;
	[tilespmem:v34+s21+$0x0] =	vst.idx.msk $0xffff, v32;
	v52 =	vmovc v23;
	v35 =	vmovc v20;
	v30 =	vmov v26;
	v32 =	vmov v25;
	v34 =	vmov v27;
	s5 =	smov.u32 s0;
	s1 =	sadd.s32 $0x4, s0  }
0xdc: {  	p1 =	slt.u32 s0, $0x1C;
	v18 =	vand.u32 $0x1F, v48;
	v20 =	vadd.s32 s9, v0;
	s5 =	sadd.s32 $0x2, s5;
	v25 =	vadd.s32 s10, v0;
	[tilespmem:v36+s21+$0x0] =	vst.idx.msk $0xffff, v33;
	v33 =	vmovc v24;
	v36 =	vmovc v22  }
0xdd: {  	v23 =	vshll.u32 v18, $0x7;
	v20 =	vand.u32 $0x1F, v20;
	v22 =	vadd.s32 s5, v0;
	v45 =	vld.idx.msk [tilespmem:v45+s15+$0x0], $0xffff;
	[tilespmem:v28+s21+$0x0] =	vst.idx.msk $0xffff, v39;
	v39 =	vmovc v16  }
0xde: {  	v25 =	vand.u32 $0x1F, v25;
	v16 =	vmovc v21;
	v28 =	vor.u32 v0, v23;
	v26 =	vand.u32 $0x1F, v22;
	[tilespmem:v46+s21+$0x0] =	vst.idx.msk $0xffff, v44  }
0xdf: {  	v27 =	vshll.u32 v20, $0x7;
	v22 =	vshll.u32 v25, $0x7;
	v24 =	vshll.u32 v26, $0x7;
	v44 =	vld.idx.msk [tilespmem:v47+s15+$0x0], $0xffff;
	[tilespmem:v31+s21+$0x0] =	vst.idx.msk $0xffff, v40  }
0xe0: {  	v40 =	vor.u32 v9, v30;
	v31 =	vor.u32 v0, v24;
	[tilespmem:v17+s21+$0x0] =	vst.idx.msk $0xffff, v38;
	v29 =	vld.idx.msk [tilespmem:v29+s15+$0x0], $0xffff  }
0xe1: {  	v21 =	vor.u32 v15, v25;
	v38 =	vor.u32 v15, v26;
	[tilespmem:v42+s21+$0x0] =	vst.idx.msk $0xffff, v49;
	v42 =	vld.idx.msk [tilespmem:v50+s15+$0x0], $0xffff  }
0xe2: {  	v48 =	vor.u32 v7, v32;
	v46 =	vor.u32 v0, v27;
	v47 =	vor.u32 v9, v35;
	v43 =	vld.idx.msk [tilespmem:v43+s15+$0x0], $0xffff  }
0xe3: {  	v17 =	vmov v19;
	v49 =	vor.u32 v0, v22;
	[tilespmem:v41+s21+$0x0] =	vst.idx.msk $0xffff, v45;
	v41 =	vor.u32 v8, v36  }
0xe4: {  	v50 =	vor.u32 v15, v51;
	v19 =	vmov v38;
	v45 =	vld.idx.msk [tilespmem:v28+s15+$0x0], $0xffff;
	v28 =	vor.u32 v15, v35  }
0xe5: {  	v53 =	vor.u32 v10, v34;
	v38 =	vor.u32 v1, v18;
	v37 =	vld.idx.msk [tilespmem:v37+s15+$0x0], $0xffff;
	[tilespmem:v40+s21+$0x0] =	vst.idx.msk $0xffff, v44  }
0xe6: {  	v40 =	vor.u32 v2, v23;
	v44 =	vor.u32 v11, v51;
	v31 =	vld.idx.msk [tilespmem:v31+s15+$0x0], $0xffff;
	[tilespmem:v39+s21+$0x0] =	vst.idx.msk $0xffff, v29  }
0xe7: {  	v54 =	vor.u32 v12, v52;
	v39 =	vld.idx.msk [tilespmem:v46+s15+$0x0], $0xffff;
	v46 =	vor.u32 v1, v26;
	[tilespmem:v48+s21+$0x0] =	vst.idx.msk $0xffff, v42  }
0xe8: {  	v42 =	vor.u32 v1, v20;
	v48 =	vor.u32 v2, v24;
	[tilespmem:v47+s21+$0x0] =	vst.idx.msk $0xffff, v43;
	v41 =	vld.idx.msk [tilespmem:v41+s15+$0x0], $0xffff  }
0xe9: {  	v29 =	vor.u32 v14, v36;
	v47 =	vor.u32 v10, v33;
	v43 =	vld.idx.msk [tilespmem:v49+s15+$0x0], $0xffff;
	v49 =	vor.u32 v9, v32  }
0xea: {  	[tilespmem:v38+s21+$0x0] =	vst.idx.msk $0xffff, v45;
	v38 =	vor.u32 v1, v25;
	v45 =	vld.idx.msk [tilespmem:v53+s15+$0x0], $0xffff;
	v53 =	vor.u32 v10, v36  }
0xeb: {  	v55 =	vor.u32 v2, v27;
	v40 =	vld.idx.msk [tilespmem:v40+s15+$0x0], $0xffff;
	[tilespmem:v44+s21+$0x0] =	vst.idx.msk $0xffff, v37;
	v37 =	vor.u32 v11, v35  }
0xec: {  	v44 =	vor.u32 v3, v18;
	[tilespmem:v46+s21+$0x0] =	vst.idx.msk $0xffff, v31;
	v31 =	vor.u32 v2, v22;
	v46 =	vld.idx.msk [tilespmem:v54+s15+$0x0], $0xffff  }
0xed: {  	v54 =	vor.u32 v4, v23;
	[tilespmem:v42+s21+$0x0] =	vst.idx.msk $0xffff, v39;
	v39 =	vld.idx.msk [tilespmem:v48+s15+$0x0], $0xffff;
	v42 =	vor.u32 v13, v51  }
0xee: {  	v48 =	vor.u32 v3, v26;
	v51 =	vor.u32 v12, v34;
	v47 =	vld.idx.msk [tilespmem:v47+s15+$0x0], $0xffff;
	[tilespmem:v49+s21+$0x0] =	vst.idx.msk $0xffff, v41  }
0xef: {  	v41 =	vor.u32 v4, v24;
	[tilespmem:v38+s21+$0x0] =	vst.idx.msk $0xffff, v43;
	v38 =	vor.u32 v11, v30;
	v43 =	vld.idx.msk [tilespmem:v53+s15+$0x0], $0xffff  }
0xf0: {  	v52 =	vor.u32 v14, v52;
	v49 =	vld.idx.msk [tilespmem:v55+s15+$0x0], $0xffff;
	[tilespmem:v37+s21+$0x0] =	vst.idx.msk $0xffff, v45;
	v37 =	vor.u32 v11, v32  }
0xf1: {  	[tilespmem:v44+s21+$0x0] =	vst.idx.msk $0xffff, v40;
	v40 =	vor.u32 v3, v20;
	v31 =	vld.idx.msk [tilespmem:v31+s15+$0x0], $0xffff;
	v44 =	vor.u32 v12, v33  }
0xf2: {  	v53 =	vor.u32 v4, v27;
	v45 =	vld.idx.msk [tilespmem:v54+s15+$0x0], $0xffff;
	v54 =	vor.u32 v3, v25;
	[tilespmem:v42+s21+$0x0] =	vst.idx.msk $0xffff, v46  }
0xf3: {  	v42 =	vor.u32 v5, v18;
	[tilespmem:v48+s21+$0x0] =	vst.idx.msk $0xffff, v39;
	v39 =	vor.u32 v4, v22;
	v46 =	vld.idx.msk [tilespmem:v51+s15+$0x0], $0xffff  }
0xf4: {  	v35 =	vor.u32 v13, v35;
	v48 =	vor.u32 v6, v23;
	v41 =	vld.idx.msk [tilespmem:v41+s15+$0x0], $0xffff;
	[tilespmem:v38+s21+$0x0] =	vst.idx.msk $0xffff, v47  }
0xf5: {  	v51 =	vor.u32 v14, v34;
	v38 =	vor.u32 v5, v26;
	v47 =	vld.idx.msk [tilespmem:v52+s15+$0x0], $0xffff;
	[tilespmem:v37+s21+$0x0] =	vst.idx.msk $0xffff, v43  }
0xf6: {  	[tilespmem:v40+s21+$0x0] =	vst.idx.msk $0xffff, v49;
	v40 =	vor.u32 v6, v24;
	v43 =	vld.idx.msk [tilespmem:v44+s15+$0x0], $0xffff;
	v49 =	vor.u32 v12, v36  }
0xf7: {  	v52 =	vld.idx.msk [tilespmem:v53+s15+$0x0], $0xffff;
	[tilespmem:v54+s21+$0x0] =	vst.idx.msk $0xffff, v31;
	v53 =	vor.u32 v13, v30;
	v31 =	vor.u32 v13, v32  }
0xf8: {  	v55 =	vor.u32 v14, v33;
	v54 =	vor.u32 v5, v20;
	[tilespmem:v42+s21+$0x0] =	vst.idx.msk $0xffff, v45;
	v32 =	vld.idx.msk [tilespmem:v39+s15+$0x0], $0xffff  }
.Ltmp3:
0xf9: {  	v34 =	vor.u32 v5, v25;
	v30 =	vor.u32 v6, v27;
	v33 =	vld.idx.msk [tilespmem:v48+s15+$0x0], $0xffff;
	[tilespmem:v35+s21+$0x0] =	vst.idx.msk $0xffff, v46;
	(pc) =	sbr.rel @p1 .LBB2_5-.Ltmp3, $4  }
0xfa: {  	v37 =	vor.u32 v10, v23;
	v36 =	vor.u32 v7, v18;
	[tilespmem:v38+s21+$0x0] =	vst.idx.msk $0xffff, v41;
	v39 =	vld.idx.msk [tilespmem:v51+s15+$0x0], $0xffff  }
0xfb: {  	v45 =	vor.u32 v8, v23;
	v41 =	vor.u32 v9, v18;
	v44 =	vld.idx.msk [tilespmem:v40+s15+$0x0], $0xffff;
	[tilespmem:v50+s21+$0x0] =	vst.idx.msk $0xffff, v47  }
0xfc: {  	v42 =	vor.u32 v7, v20;
	v46 =	vor.u32 v7, v26;
	[tilespmem:v53+s21+$0x0] =	vst.idx.msk $0xffff, v43;
	v40 =	vld.idx.msk [tilespmem:v49+s15+$0x0], $0xffff  }
0xfd: {  	s0 =	smov.u32 s1;
	v47 =	vor.u32 v8, v24;
	v43 =	vor.u32 v8, v27;
	[tilespmem:v54+s21+$0x0] =	vst.idx.msk $0xffff, v52;
	v38 =	vld.idx.msk [tilespmem:v55+s15+$0x0], $0xffff  }
0xfe: {  	v35 =	vor.u32 v6, v22;
	_ =	sdelay $0x3  }
0xff: {  	v30 =	vld.idx.msk [tilespmem:v30+s15+$0x0], $0xffff;
	[tilespmem:v34+s21+$0x0] =	vst.idx.msk $0xffff, v32  }
0x100: {  	v53 =	vor.u32 v7, v25;
	v32 =	vld.idx.msk [tilespmem:v35+s15+$0x0], $0xffff  }
0x101: {  	v54 =	vor.u32 v8, v22  }
0x102: {  	[tilespmem:v36+s21+$0x0] =	vst.idx.msk $0xffff, v33  }
0x103: {  	v33 =	vld.idx.msk [tilespmem:v45+s15+$0x0], $0xffff;
	[tilespmem:v46+s21+$0x0] =	vst.idx.msk $0xffff, v44  }
0x104: {  	v57 =	vor.u32 v9, v26;
	v56 =	vld.idx.msk [tilespmem:v47+s15+$0x0], $0xffff;
	[tilespmem:v42+s21+$0x0] =	vst.idx.msk $0xffff, v30  }
0x105: {  	v55 =	vor.u32 v9, v20;
	v59 =	vor.u32 v10, v24;
	v30 =	vld.idx.msk [tilespmem:v43+s15+$0x0], $0xffff;
	[tilespmem:v53+s21+$0x0] =	vst.idx.msk $0xffff, v32  }
0x106: {  	v58 =	vor.u32 v10, v27;
	v60 =	vor.u32 v9, v25;
	v32 =	vld.idx.msk [tilespmem:v54+s15+$0x0], $0xffff  }
0x107: {  	v61 =	vor.u32 v10, v22  }
0x108: {  	[tilespmem:v41+s21+$0x0] =	vst.idx.msk $0xffff, v33  }
0x109: {  	v62 =	vor.u32 v11, v18;
	v33 =	vld.idx.msk [tilespmem:v37+s15+$0x0], $0xffff;
	[tilespmem:v57+s21+$0x0] =	vst.idx.msk $0xffff, v56  }
0x10a: {  	v49 =	vor.u32 v11, v26;
	v34 =	vld.idx.msk [tilespmem:v59+s15+$0x0], $0xffff;
	[tilespmem:v55+s21+$0x0] =	vst.idx.msk $0xffff, v30;
	v30 =	vor.u32 v12, v23  }
0x10b: {  	v63 =	vor.u32 v11, v20;
	v51 =	vor.u32 v12, v24;
	v36 =	vld.idx.msk [tilespmem:v58+s15+$0x0], $0xffff;
	[tilespmem:v60+s21+$0x0] =	vst.idx.msk $0xffff, v32  }
0x10c: {  	v48 =	vor.u32 v12, v27;
	v50 =	vor.u32 v11, v25;
	v35 =	vld.idx.msk [tilespmem:v61+s15+$0x0], $0xffff  }
0x10d: {  	v52 =	vor.u32 v12, v22  }
0x10e: {  	[tilespmem:v62+s21+$0x0] =	vst.idx.msk $0xffff, v33  }
0x10f: {  	v53 =	vor.u32 v13, v18;
	[tilespmem:v49+s21+$0x0] =	vst.idx.msk $0xffff, v34;
	v30 =	vld.idx.msk [tilespmem:v30+s15+$0x0], $0xffff  }
0x110: {  	v26 =	vor.u32 v13, v26;
	v23 =	vor.u32 v14, v23;
	v32 =	vld.idx.msk [tilespmem:v51+s15+$0x0], $0xffff;
	[tilespmem:v63+s21+$0x0] =	vst.idx.msk $0xffff, v36  }
0x111: {  	v24 =	vor.u32 v14, v24;
	v54 =	vor.u32 v13, v20;
	v36 =	vld.idx.msk [tilespmem:v48+s15+$0x0], $0xffff;
	[tilespmem:v50+s21+$0x0] =	vst.idx.msk $0xffff, v35  }
0x112: {  	v27 =	vor.u32 v14, v27;
	v25 =	vor.u32 v13, v25;
	[tilespmem:v28+s21+$0x0] =	vst.idx.msk $0xffff, v39;
	v28 =	vld.idx.msk [tilespmem:v52+s15+$0x0], $0xffff  }
0x113: {  	v22 =	vor.u32 v14, v22;
	[tilespmem:v31+s21+$0x0] =	vst.idx.msk $0xffff, v40  }
0x114: {  	v29 =	vld.idx.msk [tilespmem:v29+s15+$0x0], $0xffff;
	[tilespmem:v53+s21+$0x0] =	vst.idx.msk $0xffff, v30  }
0x115: {  	v18 =	vor.u32 v15, v18;
	[tilespmem:v26+s21+$0x0] =	vst.idx.msk $0xffff, v32;
	v23 =	vld.idx.msk [tilespmem:v23+s15+$0x0], $0xffff  }
0x116: {  	v24 =	vld.idx.msk [tilespmem:v24+s15+$0x0], $0xffff;
	[tilespmem:v54+s21+$0x0] =	vst.idx.msk $0xffff, v36  }
0x117: {  	v20 =	vor.u32 v15, v20;
	v27 =	vld.idx.msk [tilespmem:v27+s15+$0x0], $0xffff;
	[tilespmem:v25+s21+$0x0] =	vst.idx.msk $0xffff, v28  }
0x118: {  	[tilespmem:v17+s21+$0x0] =	vst.idx.msk $0xffff, v38;
	v17 =	vld.idx.msk [tilespmem:v22+s15+$0x0], $0xffff  }
0x119: {  	[tilespmem:v16+s21+$0x0] =	vst.idx.msk $0xffff, v29  }
0x11a: {  	[tilespmem:v18+s21+$0x0] =	vst.idx.msk $0xffff, v23  }
0x11b: {  	[tilespmem:v19+s21+$0x0] =	vst.idx.msk $0xffff, v24  }
0x11c: {  	s0 =	sor.u32 s12, s31;
	[tilespmem:v20+s21+$0x0] =	vst.idx.msk $0xffff, v27  }
0x11d: {  	p1 =	seq.s32 s28, $0x3C;
	s10 =	simm.s32 $0x0;
	s0 =	sadd.s32 s2, s0;
	[tilespmem:v21+s21+$0x0] =	vst.idx.msk $0xffff, v17  }
0x11e: {  	[hbm4b:s0+s3] =	stream.linear.scatter [tilespmem:s21], [sflag:$0x6], $0x1000, $0x38;
	[tilespmem:$0x6000] =	vst v63  }
0x11f: {  	s31 =	sshll.u32 @!p1 s28, $0xE;
	s5 =	simm.s32 @!p1 $0x400;
	_ =	swait.ge [sflag:s22], $0x1000  }
0x120: {  	s9 =	simm.s32 @!p1 $0x0;
	s1 =	sadd.s32 @!p1 s31, s7;
	v16 =	vadd.s32 s10, v0;
	[sflag:s22] =	ssyncset.done $0x0  }
0x121: {  	s10 =	simm.s32 $0x2;
	v37 =	vand.u32 $0x1F, v16;
	s0 =	simm.s32 @!p1 $0x7A1400;
	[sflag:s22] =	ssyncadd.s32 $0xFFFFF000  }
0x122: {  	v16 =	vadd.s32 s10, v0;
	v36 =	vshll.u32 v37, $0x7;
	[tilespmem:s9], [sflag:$0x1] =	stream.strided.gather @!p1 [hbm4b:s1+s5], $0x1000, s0, s5, $0x38;
	[tilespmem:$0x6000] =	vst v63  }
0x123: {  	v31 =	vand.u32 $0x1F, v16;
	v17 =	vor.u32 v0, v36;
	s9 =	simm.s32 $0x1  }
0x124: {  	s10 =	simm.s32 $0x3;
	v30 =	vshll.u32 v31, $0x7;
	v16 =	vadd.s32 s9, v0  }
0x125: {  	v18 =	vadd.s32 s10, v0;
	_ =	swait.ge [sflag:s23], $0x1000;
	v34 =	vand.u32 $0x1F, v16;
	v16 =	vor.u32 v0, v30  }
0x126: {  	v32 =	vand.u32 $0x1F, v18;
	[sflag:s23] =	ssyncset.done $0x0;
	v35 =	vshll.u32 v34, $0x7  }
0x127: {  	v33 =	vshll.u32 v32, $0x7;
	[sflag:s23] =	ssyncadd.s32 $0xFFFFF000;
	v18 =	vor.u32 v0, v35  }
0x128: {  	v20 =	vor.u32 v1, v37;
	v19 =	vor.u32 v0, v33;
	v17 =	vld.idx.msk [tilespmem:v17+s17+$0x0], $0xffff  }
0x129: {  	v21 =	vor.u32 v2, v36  }
0x12a: {  	v22 =	vor.u32 v1, v31;
	v16 =	vld.idx.msk [tilespmem:v16+s17+$0x0], $0xffff  }
0x12b: {  	v23 =	vor.u32 v2, v30  }
0x12c: {  	v24 =	vor.u32 v1, v34;
	v18 =	vld.idx.msk [tilespmem:v18+s17+$0x0], $0xffff  }
0x12d: {  	v19 =	vld.idx.msk [tilespmem:v19+s17+$0x0], $0xffff;
	[tilespmem:v20+s18+$0x0] =	vst.idx.msk $0xffff, v17;
	v17 =	vor.u32 v1, v32;
	v20 =	vor.u32 v2, v35  }
0x12e: {  	v25 =	vor.u32 v3, v37;
	v26 =	vor.u32 v2, v33;
	v21 =	vld.idx.msk [tilespmem:v21+s17+$0x0], $0xffff  }
0x12f: {  	[tilespmem:v22+s18+$0x0] =	vst.idx.msk $0xffff, v16;
	v16 =	vor.u32 v4, v36  }
0x130: {  	v22 =	vld.idx.msk [tilespmem:v23+s17+$0x0], $0xffff;
	v23 =	vor.u32 v3, v31  }
0x131: {  	[tilespmem:v24+s18+$0x0] =	vst.idx.msk $0xffff, v18  }
0x132: {  	v18 =	vor.u32 v4, v30;
	[tilespmem:v17+s18+$0x0] =	vst.idx.msk $0xffff, v19;
	v19 =	vor.u32 v3, v34;
	v17 =	vld.idx.msk [tilespmem:v20+s17+$0x0], $0xffff  }
0x133: {  	v24 =	vor.u32 v3, v32;
	[tilespmem:v25+s18+$0x0] =	vst.idx.msk $0xffff, v21;
	v20 =	vld.idx.msk [tilespmem:v26+s17+$0x0], $0xffff  }
0x134: {  	v21 =	vor.u32 v4, v35;
	v26 =	vor.u32 v5, v37;
	v25 =	vld.idx.msk [tilespmem:v16+s17+$0x0], $0xffff  }
0x135: {  	[tilespmem:v23+s18+$0x0] =	vst.idx.msk $0xffff, v22;
	v22 =	vor.u32 v6, v36  }
0x136: {  	v23 =	vor.u32 v4, v33  }
0x137: {  	v27 =	vor.u32 v5, v31;
	v18 =	vld.idx.msk [tilespmem:v18+s17+$0x0], $0xffff;
	[tilespmem:v19+s18+$0x0] =	vst.idx.msk $0xffff, v17  }
0x138: {  	v19 =	vor.u32 v6, v30;
	[tilespmem:v24+s18+$0x0] =	vst.idx.msk $0xffff, v20  }
0x139: {  	v55 =	vor.u32 v9, v37;
	v20 =	vor.u32 v5, v34;
	v21 =	vld.idx.msk [tilespmem:v21+s17+$0x0], $0xffff;
	[tilespmem:v26+s18+$0x0] =	vst.idx.msk $0xffff, v25  }
0x13a: {  	v57 =	vor.u32 v7, v31;
	v24 =	vor.u32 v6, v35;
	v26 =	vor.u32 v7, v37;
	v22 =	vld.idx.msk [tilespmem:v22+s17+$0x0], $0xffff  }
0x13b: {  	v62 =	vor.u32 v9, v31;
	v50 =	vor.u32 v15, v37;
	v25 =	vor.u32 v5, v32;
	v28 =	vld.idx.msk [tilespmem:v23+s17+$0x0], $0xffff  }
0x13c: {  	v29 =	vor.u32 v10, v36;
	s1 =	simm.s32 $0x4;
	[tilespmem:v27+s18+$0x0] =	vst.idx.msk $0xffff, v18;
	v27 =	vor.u32 v8, v36  }
0x13d: {  	v54 =	vor.u32 v12, v36;
	v59 =	vor.u32 v6, v33;
	v18 =	vadd.s32 s1, v0;
	v19 =	vld.idx.msk [tilespmem:v19+s17+$0x0], $0xffff  }
0x13e: {  	s9 =	simm.s32 $0x7;
	v56 =	vor.u32 v7, v34;
	v18 =	vand.u32 $0x1F, v18;
	[tilespmem:v20+s18+$0x0] =	vst.idx.msk $0xffff, v21;
	v21 =	vor.u32 v8, v30  }
0x13f: {  	s10 =	simm.s32 $0x6;
	v58 =	vor.u32 v8, v35;
	v23 =	vshll.u32 v18, $0x7;
	v60 =	vld.idx.msk [tilespmem:v24+s17+$0x0], $0xffff;
	v24 =	vadd.s32 s9, v0;
	[tilespmem:v26+s18+$0x0] =	vst.idx.msk $0xffff, v22  }
0x140: {  	s5 =	simm.s32 $0x5;
	v61 =	vor.u32 v0, v23;
	v22 =	vadd.s32 s10, v0;
	[tilespmem:v25+s18+$0x0] =	vst.idx.msk $0xffff, v28;
	v25 =	vand.u32 $0x1F, v24  }
0x141: {  	v20 =	vadd.s32 s5, v0;
	v28 =	vld.idx.msk [tilespmem:v27+s17+$0x0], $0xffff;
	v26 =	vand.u32 $0x1F, v22;
	v22 =	vshll.u32 v25, $0x7  }
0x142: {  	v63 =	vld.idx.msk [tilespmem:v59+s17+$0x0], $0xffff;
	[tilespmem:v57+s18+$0x0] =	vst.idx.msk $0xffff, v19;
	v57 =	vor.u32 v7, v32;
	v49 =	vor.u32 v0, v22  }
0x143: {  	v48 =	vor.u32 v8, v33;
	v20 =	vand.u32 $0x1F, v20;
	v24 =	vshll.u32 v26, $0x7;
	v40 =	vld.idx.msk [tilespmem:v21+s17+$0x0], $0xffff  }
0x144: {  	v52 =	vor.u32 v10, v35;
	v27 =	vshll.u32 v20, $0x7;
	v45 =	vor.u32 v0, v24  }
0x145: {  	[tilespmem:v56+s18+$0x0] =	vst.idx.msk $0xffff, v60;
	v56 =	vor.u32 v0, v27;
	v59 =	vld.idx.msk [tilespmem:v61+s17+$0x0], $0xffff;
	v60 =	vor.u32 v1, v18  }
0x146: {  	v43 =	vor.u32 v12, v35;
	v41 =	vld.idx.msk [tilespmem:v58+s17+$0x0], $0xffff;
	v58 =	vor.u32 v9, v34;
	[tilespmem:v55+s18+$0x0] =	vst.idx.msk $0xffff, v28  }
0x147: {  	v61 =	vor.u32 v2, v23;
	[tilespmem:v57+s18+$0x0] =	vst.idx.msk $0xffff, v63;
	v47 =	vld.idx.msk [tilespmem:v49+s17+$0x0], $0xffff;
	v57 =	vor.u32 v1, v25  }
0x148: {  	v16 =	vor.u32 v15, v32;
	v51 =	vld.idx.msk [tilespmem:v29+s17+$0x0], $0xffff;
	[tilespmem:v62+s18+$0x0] =	vst.idx.msk $0xffff, v40;
	v62 =	vor.u32 v11, v37  }
0x149: {  	v17 =	vor.u32 v15, v31;
	v35 =	vor.u32 v14, v35;
	v53 =	vor.u32 v1, v26;
	v45 =	vld.idx.msk [tilespmem:v45+s17+$0x0], $0xffff  }
0x14a: {  	v39 =	vor.u32 v1, v20;
	v63 =	vor.u32 v2, v24;
	v42 =	vld.idx.msk [tilespmem:v56+s17+$0x0], $0xffff;
	[tilespmem:v60+s18+$0x0] =	vst.idx.msk $0xffff, v59  }
0x14b: {  	v49 =	vor.u32 v9, v32;
	[tilespmem:v58+s18+$0x0] =	vst.idx.msk $0xffff, v41;
	v41 =	vld.idx.msk [tilespmem:v48+s17+$0x0], $0xffff;
	v48 =	vor.u32 v10, v30  }
0x14c: {  	v60 =	vor.u32 v3, v18;
	v40 =	vld.idx.msk [tilespmem:v61+s17+$0x0], $0xffff;
	v61 =	vor.u32 v2, v22;
	[tilespmem:v57+s18+$0x0] =	vst.idx.msk $0xffff, v47  }
0x14d: {  	v59 =	vor.u32 v11, v34;
	v58 =	vor.u32 v10, v33;
	v44 =	vld.idx.msk [tilespmem:v52+s17+$0x0], $0xffff;
	[tilespmem:v62+s18+$0x0] =	vst.idx.msk $0xffff, v51  }
0x14e: {  	v55 =	vor.u32 v2, v27;
	v37 =	vor.u32 v13, v37;
	[tilespmem:v53+s18+$0x0] =	vst.idx.msk $0xffff, v45;
	v53 =	vld.idx.msk [tilespmem:v54+s17+$0x0], $0xffff  }
0x14f: {  	v36 =	vor.u32 v14, v36;
	[tilespmem:v39+s18+$0x0] =	vst.idx.msk $0xffff, v42;
	v39 =	vld.idx.msk [tilespmem:v63+s17+$0x0], $0xffff;
	v63 =	vor.u32 v3, v26  }
0x150: {  	v57 =	vor.u32 v11, v31;
	v62 =	vor.u32 v4, v23;
	v48 =	vld.idx.msk [tilespmem:v48+s17+$0x0], $0xffff;
	[tilespmem:v49+s18+$0x0] =	vst.idx.msk $0xffff, v41  }
0x151: {  	v41 =	vor.u32 v4, v24;
	[tilespmem:v60+s18+$0x0] =	vst.idx.msk $0xffff, v40;
	v45 =	vld.idx.msk [tilespmem:v61+s17+$0x0], $0xffff;
	v61 =	vor.u32 v3, v25  }
0x152: {  	v19 =	vor.u32 v15, v26;
	v47 =	vld.idx.msk [tilespmem:v58+s17+$0x0], $0xffff;
	[tilespmem:v59+s18+$0x0] =	vst.idx.msk $0xffff, v44;
	v58 =	vor.u32 v11, v32  }
0x153: {  	v49 =	vld.idx.msk [tilespmem:v55+s17+$0x0], $0xffff;
	v60 =	vor.u32 v12, v30;
	v59 =	vor.u32 v3, v20;
	[tilespmem:v37+s18+$0x0] =	vst.idx.msk $0xffff, v53  }
0x154: {  	v38 =	vor.u32 v5, v26;
	v52 =	vor.u32 v4, v27;
	v42 =	vld.idx.msk [tilespmem:v43+s17+$0x0], $0xffff;
	[tilespmem:v63+s18+$0x0] =	vst.idx.msk $0xffff, v39  }
0x155: {  	v51 =	vld.idx.msk [tilespmem:v62+s17+$0x0], $0xffff;
	v62 =	vor.u32 v5, v18;
	v63 =	vor.u32 v4, v22;
	[tilespmem:v57+s18+$0x0] =	vst.idx.msk $0xffff, v48  }
0x156: {  	v43 =	vor.u32 v6, v23;
	v53 =	vor.u32 v13, v34;
	v41 =	vld.idx.msk [tilespmem:v41+s17+$0x0], $0xffff;
	[tilespmem:v61+s18+$0x0] =	vst.idx.msk $0xffff, v45  }
0x157: {  	v46 =	vor.u32 v7, v26;
	v21 =	vor.u32 v15, v25;
	v57 =	vld.idx.msk [tilespmem:v36+s17+$0x0], $0xffff;
	[tilespmem:v58+s18+$0x0] =	vst.idx.msk $0xffff, v47  }
0x158: {  	v28 =	vor.u32 v15, v34;
	[tilespmem:v59+s18+$0x0] =	vst.idx.msk $0xffff, v49;
	v58 =	vor.u32 v6, v24;
	v59 =	vld.idx.msk [tilespmem:v60+s17+$0x0], $0xffff  }
0x159: {  	v61 =	vor.u32 v13, v31;
	v31 =	vor.u32 v13, v32;
	v60 =	vor.u32 v12, v33;
	v52 =	vld.idx.msk [tilespmem:v52+s17+$0x0], $0xffff  }
0x15a: {  	[tilespmem:v62+s18+$0x0] =	vst.idx.msk $0xffff, v51;
	v62 =	vor.u32 v5, v20;
	v32 =	vld.idx.msk [tilespmem:v63+s17+$0x0], $0xffff;
	v63 =	vor.u32 v14, v30  }
0x15b: {  	v29 =	vor.u32 v14, v33;
	v33 =	vld.idx.msk [tilespmem:v43+s17+$0x0], $0xffff;
	v30 =	vor.u32 v6, v27;
	[tilespmem:v53+s18+$0x0] =	vst.idx.msk $0xffff, v42  }
0x15c: {  	v34 =	vor.u32 v5, v25;
	v37 =	vor.u32 v10, v23;
	[tilespmem:v38+s18+$0x0] =	vst.idx.msk $0xffff, v41;
	v39 =	vld.idx.msk [tilespmem:v35+s17+$0x0], $0xffff  }
0x15d: {  	v36 =	vor.u32 v7, v18;
	v45 =	vor.u32 v8, v23;
	[tilespmem:v50+s18+$0x0] =	vst.idx.msk $0xffff, v57;
	v44 =	vld.idx.msk [tilespmem:v58+s17+$0x0], $0xffff  }
0x15e: {  	v47 =	vor.u32 v8, v24;
	v42 =	vor.u32 v7, v20;
	[tilespmem:v61+s18+$0x0] =	vst.idx.msk $0xffff, v59;
	v40 =	vld.idx.msk [tilespmem:v60+s17+$0x0], $0xffff  }
0x15f: {  	s1 =	simm.s32 $0x8;
	v43 =	vor.u32 v8, v27;
	v41 =	vor.u32 v9, v18;
	[tilespmem:v62+s18+$0x0] =	vst.idx.msk $0xffff, v52;
	v38 =	vld.idx.msk [tilespmem:v63+s17+$0x0], $0xffff  }
.LBB2_7:
0x160: {  	v48 =	vadd.s32 s1, v0;
	s5 =	sadd.s32 $0x1, s1;
	v49 =	vld.idx.msk [tilespmem:v30+s17+$0x0], $0xffff;
	v50 =	vor.u32 v6, v22;
	v51 =	vmov v18  }
0x161: {  	s9 =	sadd.s32 $0x3, s1;
	[tilespmem:v34+s18+$0x0] =	vst.idx.msk $0xffff, v32;
	v52 =	vmovc v23;
	v35 =	vmovc v20;
	v30 =	vmov v26;
	v32 =	vmov v25;
	v34 =	vmov v27;
	s10 =	smov.u32 s1;
	s0 =	sadd.s32 $0x4, s1  }
0x162: {  	p2 =	slt.u32 s1, $0x1C;
	v18 =	vand.u32 $0x1F, v48;
	v20 =	vadd.s32 s5, v0;
	s5 =	sadd.s32 $0x2, s10;
	v25 =	vadd.s32 s9, v0;
	[tilespmem:v36+s18+$0x0] =	vst.idx.msk $0xffff, v33;
	v33 =	vmovc v24;
	v36 =	vmovc v22  }
0x163: {  	v23 =	vshll.u32 v18, $0x7;
	v20 =	vand.u32 $0x1F, v20;
	v22 =	vadd.s32 s5, v0;
	v45 =	vld.idx.msk [tilespmem:v45+s17+$0x0], $0xffff;
	[tilespmem:v28+s18+$0x0] =	vst.idx.msk $0xffff, v39;
	v39 =	vmovc v16  }
0x164: {  	v25 =	vand.u32 $0x1F, v25;
	v16 =	vmovc v21;
	v28 =	vor.u32 v0, v23;
	v26 =	vand.u32 $0x1F, v22;
	[tilespmem:v46+s18+$0x0] =	vst.idx.msk $0xffff, v44  }
0x165: {  	v27 =	vshll.u32 v20, $0x7;
	v22 =	vshll.u32 v25, $0x7;
	v24 =	vshll.u32 v26, $0x7;
	v44 =	vld.idx.msk [tilespmem:v47+s17+$0x0], $0xffff;
	[tilespmem:v31+s18+$0x0] =	vst.idx.msk $0xffff, v40  }
0x166: {  	v40 =	vor.u32 v9, v30;
	v31 =	vor.u32 v0, v24;
	[tilespmem:v17+s18+$0x0] =	vst.idx.msk $0xffff, v38;
	v29 =	vld.idx.msk [tilespmem:v29+s17+$0x0], $0xffff  }
0x167: {  	v21 =	vor.u32 v15, v25;
	v38 =	vor.u32 v15, v26;
	[tilespmem:v42+s18+$0x0] =	vst.idx.msk $0xffff, v49;
	v42 =	vld.idx.msk [tilespmem:v50+s17+$0x0], $0xffff  }
0x168: {  	v48 =	vor.u32 v7, v32;
	v46 =	vor.u32 v0, v27;
	v47 =	vor.u32 v9, v35;
	v43 =	vld.idx.msk [tilespmem:v43+s17+$0x0], $0xffff  }
0x169: {  	v17 =	vmov v19;
	v49 =	vor.u32 v0, v22;
	[tilespmem:v41+s18+$0x0] =	vst.idx.msk $0xffff, v45;
	v41 =	vor.u32 v8, v36  }
0x16a: {  	v50 =	vor.u32 v15, v51;
	v19 =	vmov v38;
	v45 =	vld.idx.msk [tilespmem:v28+s17+$0x0], $0xffff;
	v28 =	vor.u32 v15, v35  }
0x16b: {  	v53 =	vor.u32 v10, v34;
	v38 =	vor.u32 v1, v18;
	v37 =	vld.idx.msk [tilespmem:v37+s17+$0x0], $0xffff;
	[tilespmem:v40+s18+$0x0] =	vst.idx.msk $0xffff, v44  }
0x16c: {  	v40 =	vor.u32 v2, v23;
	v44 =	vor.u32 v11, v51;
	v31 =	vld.idx.msk [tilespmem:v31+s17+$0x0], $0xffff;
	[tilespmem:v39+s18+$0x0] =	vst.idx.msk $0xffff, v29  }
0x16d: {  	v54 =	vor.u32 v12, v52;
	v39 =	vld.idx.msk [tilespmem:v46+s17+$0x0], $0xffff;
	v46 =	vor.u32 v1, v26;
	[tilespmem:v48+s18+$0x0] =	vst.idx.msk $0xffff, v42  }
0x16e: {  	v42 =	vor.u32 v1, v20;
	v48 =	vor.u32 v2, v24;
	[tilespmem:v47+s18+$0x0] =	vst.idx.msk $0xffff, v43;
	v41 =	vld.idx.msk [tilespmem:v41+s17+$0x0], $0xffff  }
0x16f: {  	v29 =	vor.u32 v14, v36;
	v47 =	vor.u32 v10, v33;
	v43 =	vld.idx.msk [tilespmem:v49+s17+$0x0], $0xffff;
	v49 =	vor.u32 v9, v32  }
0x170: {  	[tilespmem:v38+s18+$0x0] =	vst.idx.msk $0xffff, v45;
	v38 =	vor.u32 v1, v25;
	v45 =	vld.idx.msk [tilespmem:v53+s17+$0x0], $0xffff;
	v53 =	vor.u32 v10, v36  }
0x171: {  	v55 =	vor.u32 v2, v27;
	v40 =	vld.idx.msk [tilespmem:v40+s17+$0x0], $0xffff;
	[tilespmem:v44+s18+$0x0] =	vst.idx.msk $0xffff, v37;
	v37 =	vor.u32 v11, v35  }
0x172: {  	v44 =	vor.u32 v3, v18;
	[tilespmem:v46+s18+$0x0] =	vst.idx.msk $0xffff, v31;
	v31 =	vor.u32 v2, v22;
	v46 =	vld.idx.msk [tilespmem:v54+s17+$0x0], $0xffff  }
0x173: {  	v54 =	vor.u32 v4, v23;
	[tilespmem:v42+s18+$0x0] =	vst.idx.msk $0xffff, v39;
	v39 =	vld.idx.msk [tilespmem:v48+s17+$0x0], $0xffff;
	v42 =	vor.u32 v13, v51  }
0x174: {  	v48 =	vor.u32 v3, v26;
	v51 =	vor.u32 v12, v34;
	v47 =	vld.idx.msk [tilespmem:v47+s17+$0x0], $0xffff;
	[tilespmem:v49+s18+$0x0] =	vst.idx.msk $0xffff, v41  }
0x175: {  	v41 =	vor.u32 v4, v24;
	[tilespmem:v38+s18+$0x0] =	vst.idx.msk $0xffff, v43;
	v38 =	vor.u32 v11, v30;
	v43 =	vld.idx.msk [tilespmem:v53+s17+$0x0], $0xffff  }
0x176: {  	v52 =	vor.u32 v14, v52;
	v49 =	vld.idx.msk [tilespmem:v55+s17+$0x0], $0xffff;
	[tilespmem:v37+s18+$0x0] =	vst.idx.msk $0xffff, v45;
	v37 =	vor.u32 v11, v32  }
0x177: {  	[tilespmem:v44+s18+$0x0] =	vst.idx.msk $0xffff, v40;
	v40 =	vor.u32 v3, v20;
	v31 =	vld.idx.msk [tilespmem:v31+s17+$0x0], $0xffff;
	v44 =	vor.u32 v12, v33  }
0x178: {  	v53 =	vor.u32 v4, v27;
	v45 =	vld.idx.msk [tilespmem:v54+s17+$0x0], $0xffff;
	v54 =	vor.u32 v3, v25;
	[tilespmem:v42+s18+$0x0] =	vst.idx.msk $0xffff, v46  }
0x179: {  	v42 =	vor.u32 v5, v18;
	[tilespmem:v48+s18+$0x0] =	vst.idx.msk $0xffff, v39;
	v39 =	vor.u32 v4, v22;
	v46 =	vld.idx.msk [tilespmem:v51+s17+$0x0], $0xffff  }
0x17a: {  	v35 =	vor.u32 v13, v35;
	v48 =	vor.u32 v6, v23;
	v41 =	vld.idx.msk [tilespmem:v41+s17+$0x0], $0xffff;
	[tilespmem:v38+s18+$0x0] =	vst.idx.msk $0xffff, v47  }
0x17b: {  	v51 =	vor.u32 v14, v34;
	v38 =	vor.u32 v5, v26;
	v47 =	vld.idx.msk [tilespmem:v52+s17+$0x0], $0xffff;
	[tilespmem:v37+s18+$0x0] =	vst.idx.msk $0xffff, v43  }
0x17c: {  	[tilespmem:v40+s18+$0x0] =	vst.idx.msk $0xffff, v49;
	v40 =	vor.u32 v6, v24;
	v43 =	vld.idx.msk [tilespmem:v44+s17+$0x0], $0xffff;
	v49 =	vor.u32 v12, v36  }
0x17d: {  	v52 =	vld.idx.msk [tilespmem:v53+s17+$0x0], $0xffff;
	[tilespmem:v54+s18+$0x0] =	vst.idx.msk $0xffff, v31;
	v53 =	vor.u32 v13, v30;
	v31 =	vor.u32 v13, v32  }
0x17e: {  	v55 =	vor.u32 v14, v33;
	v54 =	vor.u32 v5, v20;
	[tilespmem:v42+s18+$0x0] =	vst.idx.msk $0xffff, v45;
	v32 =	vld.idx.msk [tilespmem:v39+s17+$0x0], $0xffff  }
.Ltmp4:
0x17f: {  	v34 =	vor.u32 v5, v25;
	v30 =	vor.u32 v6, v27;
	v33 =	vld.idx.msk [tilespmem:v48+s17+$0x0], $0xffff;
	[tilespmem:v35+s18+$0x0] =	vst.idx.msk $0xffff, v46;
	(pc) =	sbr.rel @p2 .LBB2_7-.Ltmp4, $4  }
0x180: {  	v37 =	vor.u32 v10, v23;
	v36 =	vor.u32 v7, v18;
	[tilespmem:v38+s18+$0x0] =	vst.idx.msk $0xffff, v41;
	v39 =	vld.idx.msk [tilespmem:v51+s17+$0x0], $0xffff  }
0x181: {  	v45 =	vor.u32 v8, v23;
	v41 =	vor.u32 v9, v18;
	v44 =	vld.idx.msk [tilespmem:v40+s17+$0x0], $0xffff;
	[tilespmem:v50+s18+$0x0] =	vst.idx.msk $0xffff, v47  }
0x182: {  	v42 =	vor.u32 v7, v20;
	v46 =	vor.u32 v7, v26;
	[tilespmem:v53+s18+$0x0] =	vst.idx.msk $0xffff, v43;
	v40 =	vld.idx.msk [tilespmem:v49+s17+$0x0], $0xffff  }
0x183: {  	s1 =	smov.u32 s0;
	v47 =	vor.u32 v8, v24;
	v43 =	vor.u32 v8, v27;
	[tilespmem:v54+s18+$0x0] =	vst.idx.msk $0xffff, v52;
	v38 =	vld.idx.msk [tilespmem:v55+s17+$0x0], $0xffff  }
0x184: {  	v35 =	vor.u32 v6, v22;
	_ =	sdelay $0x3  }
0x185: {  	v30 =	vld.idx.msk [tilespmem:v30+s17+$0x0], $0xffff;
	[tilespmem:v34+s18+$0x0] =	vst.idx.msk $0xffff, v32  }
0x186: {  	v53 =	vor.u32 v7, v25;
	v32 =	vld.idx.msk [tilespmem:v35+s17+$0x0], $0xffff  }
0x187: {  	v54 =	vor.u32 v8, v22  }
0x188: {  	[tilespmem:v36+s18+$0x0] =	vst.idx.msk $0xffff, v33  }
0x189: {  	v33 =	vld.idx.msk [tilespmem:v45+s17+$0x0], $0xffff;
	[tilespmem:v46+s18+$0x0] =	vst.idx.msk $0xffff, v44  }
0x18a: {  	v57 =	vor.u32 v9, v26;
	v56 =	vld.idx.msk [tilespmem:v47+s17+$0x0], $0xffff;
	[tilespmem:v42+s18+$0x0] =	vst.idx.msk $0xffff, v30  }
0x18b: {  	v55 =	vor.u32 v9, v20;
	v59 =	vor.u32 v10, v24;
	v30 =	vld.idx.msk [tilespmem:v43+s17+$0x0], $0xffff;
	[tilespmem:v53+s18+$0x0] =	vst.idx.msk $0xffff, v32  }
0x18c: {  	v58 =	vor.u32 v10, v27;
	v60 =	vor.u32 v9, v25;
	v32 =	vld.idx.msk [tilespmem:v54+s17+$0x0], $0xffff  }
0x18d: {  	v61 =	vor.u32 v10, v22  }
0x18e: {  	[tilespmem:v41+s18+$0x0] =	vst.idx.msk $0xffff, v33  }
0x18f: {  	v62 =	vor.u32 v11, v18;
	v33 =	vld.idx.msk [tilespmem:v37+s17+$0x0], $0xffff;
	[tilespmem:v57+s18+$0x0] =	vst.idx.msk $0xffff, v56  }
0x190: {  	v49 =	vor.u32 v11, v26;
	v34 =	vld.idx.msk [tilespmem:v59+s17+$0x0], $0xffff;
	[tilespmem:v55+s18+$0x0] =	vst.idx.msk $0xffff, v30;
	v30 =	vor.u32 v12, v23  }
0x191: {  	v63 =	vor.u32 v11, v20;
	v51 =	vor.u32 v12, v24;
	v36 =	vld.idx.msk [tilespmem:v58+s17+$0x0], $0xffff;
	[tilespmem:v60+s18+$0x0] =	vst.idx.msk $0xffff, v32  }
0x192: {  	v48 =	vor.u32 v12, v27;
	v50 =	vor.u32 v11, v25;
	v35 =	vld.idx.msk [tilespmem:v61+s17+$0x0], $0xffff  }
0x193: {  	v52 =	vor.u32 v12, v22  }
0x194: {  	[tilespmem:v62+s18+$0x0] =	vst.idx.msk $0xffff, v33  }
0x195: {  	v53 =	vor.u32 v13, v18;
	[tilespmem:v49+s18+$0x0] =	vst.idx.msk $0xffff, v34;
	v30 =	vld.idx.msk [tilespmem:v30+s17+$0x0], $0xffff  }
0x196: {  	v26 =	vor.u32 v13, v26;
	v23 =	vor.u32 v14, v23;
	v32 =	vld.idx.msk [tilespmem:v51+s17+$0x0], $0xffff;
	[tilespmem:v63+s18+$0x0] =	vst.idx.msk $0xffff, v36  }
0x197: {  	v24 =	vor.u32 v14, v24;
	v54 =	vor.u32 v13, v20;
	v36 =	vld.idx.msk [tilespmem:v48+s17+$0x0], $0xffff;
	[tilespmem:v50+s18+$0x0] =	vst.idx.msk $0xffff, v35  }
0x198: {  	v27 =	vor.u32 v14, v27;
	v25 =	vor.u32 v13, v25;
	[tilespmem:v28+s18+$0x0] =	vst.idx.msk $0xffff, v39;
	v28 =	vld.idx.msk [tilespmem:v52+s17+$0x0], $0xffff  }
0x199: {  	v22 =	vor.u32 v14, v22;
	[tilespmem:v31+s18+$0x0] =	vst.idx.msk $0xffff, v40  }
0x19a: {  	v29 =	vld.idx.msk [tilespmem:v29+s17+$0x0], $0xffff;
	[tilespmem:v53+s18+$0x0] =	vst.idx.msk $0xffff, v30  }
0x19b: {  	v18 =	vor.u32 v15, v18;
	[tilespmem:v26+s18+$0x0] =	vst.idx.msk $0xffff, v32;
	v23 =	vld.idx.msk [tilespmem:v23+s17+$0x0], $0xffff  }
0x19c: {  	v24 =	vld.idx.msk [tilespmem:v24+s17+$0x0], $0xffff;
	[tilespmem:v54+s18+$0x0] =	vst.idx.msk $0xffff, v36  }
0x19d: {  	v20 =	vor.u32 v15, v20;
	v27 =	vld.idx.msk [tilespmem:v27+s17+$0x0], $0xffff;
	[tilespmem:v25+s18+$0x0] =	vst.idx.msk $0xffff, v28  }
0x19e: {  	[tilespmem:v17+s18+$0x0] =	vst.idx.msk $0xffff, v38;
	v17 =	vld.idx.msk [tilespmem:v22+s17+$0x0], $0xffff  }
0x19f: {  	[tilespmem:v16+s18+$0x0] =	vst.idx.msk $0xffff, v29  }
0x1a0: {  	[tilespmem:v18+s18+$0x0] =	vst.idx.msk $0xffff, v23  }
0x1a1: {  	[tilespmem:v19+s18+$0x0] =	vst.idx.msk $0xffff, v24  }
0x1a2: {  	s0 =	sshll.u32 s29, $0xE;
	[tilespmem:v20+s18+$0x0] =	vst.idx.msk $0xffff, v27  }
0x1a3: {  	s0 =	sadd.s32 s0, s6;
	[tilespmem:v21+s18+$0x0] =	vst.idx.msk $0xffff, v17  }
0x1a4: {  	[hbm4b:s0+s3] =	stream.linear.scatter [tilespmem:s18], [sflag:$0x5], $0x1000, $0x38;
	[tilespmem:$0x6000] =	vst v63  }
0x1a5: {  	s29 =	simm.s32 $0x0;
	s1 =	sadd.s32 @!p1 s31, s8;
	_ =	swait.ge [sflag:s24], $0x1000  }
0x1a6: {  	s5 =	simm.s32 @!p1 $0x400;
	s9 =	simm.s32 @!p1 $0x1000;
	v16 =	vadd.s32 s29, v0;
	[sflag:s24] =	ssyncset.done $0x0  }
0x1a7: {  	s10 =	simm.s32 $0x2;
	v37 =	vand.u32 $0x1F, v16;
	s0 =	simm.s32 @!p1 $0x7A1400;
	[sflag:s24] =	ssyncadd.s32 $0xFFFFF000  }
0x1a8: {  	v16 =	vadd.s32 s10, v0;
	v36 =	vshll.u32 v37, $0x7;
	[tilespmem:s9], [sflag:$0x2] =	stream.strided.gather @!p1 [hbm4b:s1+s5], $0x1000, s0, s5, $0x38;
	[tilespmem:$0x6000] =	vst v63  }
0x1a9: {  	v31 =	vand.u32 $0x1F, v16;
	v17 =	vor.u32 v0, v36;
	s1 =	simm.s32 $0x1  }
0x1aa: {  	v30 =	vshll.u32 v31, $0x7;
	s5 =	simm.s32 $0x3;
	v16 =	vadd.s32 s1, v0  }
0x1ab: {  	_ =	swait.ge [sflag:s25], $0x1000;
	v18 =	vadd.s32 s5, v0;
	v34 =	vand.u32 $0x1F, v16;
	v16 =	vor.u32 v0, v30  }
0x1ac: {  	[sflag:s25] =	ssyncset.done $0x0;
	v32 =	vand.u32 $0x1F, v18;
	v35 =	vshll.u32 v34, $0x7  }
0x1ad: {  	[sflag:s25] =	ssyncadd.s32 $0xFFFFF000;
	v33 =	vshll.u32 v32, $0x7;
	v18 =	vor.u32 v0, v35  }
0x1ae: {  	v20 =	vor.u32 v1, v37;
	v19 =	vor.u32 v0, v33;
	v17 =	vld.idx.msk [tilespmem:v17+s20+$0x0], $0xffff  }
0x1af: {  	v21 =	vor.u32 v2, v36  }
0x1b0: {  	v22 =	vor.u32 v1, v31;
	v16 =	vld.idx.msk [tilespmem:v16+s20+$0x0], $0xffff  }
0x1b1: {  	v23 =	vor.u32 v2, v30  }
0x1b2: {  	v24 =	vor.u32 v1, v34;
	v18 =	vld.idx.msk [tilespmem:v18+s20+$0x0], $0xffff  }
0x1b3: {  	v19 =	vld.idx.msk [tilespmem:v19+s20+$0x0], $0xffff;
	[tilespmem:v20+s21+$0x0] =	vst.idx.msk $0xffff, v17;
	v17 =	vor.u32 v1, v32;
	v20 =	vor.u32 v2, v35  }
0x1b4: {  	v25 =	vor.u32 v3, v37;
	v26 =	vor.u32 v2, v33;
	v21 =	vld.idx.msk [tilespmem:v21+s20+$0x0], $0xffff  }
0x1b5: {  	[tilespmem:v22+s21+$0x0] =	vst.idx.msk $0xffff, v16;
	v16 =	vor.u32 v4, v36  }
0x1b6: {  	v22 =	vld.idx.msk [tilespmem:v23+s20+$0x0], $0xffff;
	v23 =	vor.u32 v3, v31  }
0x1b7: {  	[tilespmem:v24+s21+$0x0] =	vst.idx.msk $0xffff, v18  }
0x1b8: {  	v18 =	vor.u32 v4, v30;
	[tilespmem:v17+s21+$0x0] =	vst.idx.msk $0xffff, v19;
	v19 =	vor.u32 v3, v34;
	v17 =	vld.idx.msk [tilespmem:v20+s20+$0x0], $0xffff  }
0x1b9: {  	v24 =	vor.u32 v3, v32;
	[tilespmem:v25+s21+$0x0] =	vst.idx.msk $0xffff, v21;
	v20 =	vld.idx.msk [tilespmem:v26+s20+$0x0], $0xffff  }
0x1ba: {  	v21 =	vor.u32 v4, v35;
	v26 =	vor.u32 v5, v37;
	v25 =	vld.idx.msk [tilespmem:v16+s20+$0x0], $0xffff  }
0x1bb: {  	[tilespmem:v23+s21+$0x0] =	vst.idx.msk $0xffff, v22;
	v22 =	vor.u32 v6, v36  }
0x1bc: {  	v23 =	vor.u32 v4, v33  }
0x1bd: {  	v27 =	vor.u32 v5, v31;
	v18 =	vld.idx.msk [tilespmem:v18+s20+$0x0], $0xffff;
	[tilespmem:v19+s21+$0x0] =	vst.idx.msk $0xffff, v17  }
0x1be: {  	v19 =	vor.u32 v6, v30;
	[tilespmem:v24+s21+$0x0] =	vst.idx.msk $0xffff, v20  }
0x1bf: {  	v55 =	vor.u32 v9, v37;
	v20 =	vor.u32 v5, v34;
	v21 =	vld.idx.msk [tilespmem:v21+s20+$0x0], $0xffff;
	[tilespmem:v26+s21+$0x0] =	vst.idx.msk $0xffff, v25  }
0x1c0: {  	v57 =	vor.u32 v7, v31;
	v24 =	vor.u32 v6, v35;
	v26 =	vor.u32 v7, v37;
	v22 =	vld.idx.msk [tilespmem:v22+s20+$0x0], $0xffff  }
0x1c1: {  	v62 =	vor.u32 v9, v31;
	v50 =	vor.u32 v15, v37;
	v25 =	vor.u32 v5, v32;
	v28 =	vld.idx.msk [tilespmem:v23+s20+$0x0], $0xffff  }
0x1c2: {  	v29 =	vor.u32 v10, v36;
	s9 =	simm.s32 $0x4;
	[tilespmem:v27+s21+$0x0] =	vst.idx.msk $0xffff, v18;
	v27 =	vor.u32 v8, v36  }
0x1c3: {  	v54 =	vor.u32 v12, v36;
	v59 =	vor.u32 v6, v33;
	v18 =	vadd.s32 s9, v0;
	v19 =	vld.idx.msk [tilespmem:v19+s20+$0x0], $0xffff  }
0x1c4: {  	s29 =	simm.s32 $0x7;
	v56 =	vor.u32 v7, v34;
	v18 =	vand.u32 $0x1F, v18;
	[tilespmem:v20+s21+$0x0] =	vst.idx.msk $0xffff, v21;
	v21 =	vor.u32 v8, v30  }
0x1c5: {  	s31 =	simm.s32 $0x6;
	v58 =	vor.u32 v8, v35;
	v23 =	vshll.u32 v18, $0x7;
	v60 =	vld.idx.msk [tilespmem:v24+s20+$0x0], $0xffff;
	v24 =	vadd.s32 s29, v0;
	[tilespmem:v26+s21+$0x0] =	vst.idx.msk $0xffff, v22  }
0x1c6: {  	s10 =	simm.s32 $0x5;
	v61 =	vor.u32 v0, v23;
	v22 =	vadd.s32 s31, v0;
	[tilespmem:v25+s21+$0x0] =	vst.idx.msk $0xffff, v28;
	v25 =	vand.u32 $0x1F, v24  }
0x1c7: {  	v20 =	vadd.s32 s10, v0;
	v28 =	vld.idx.msk [tilespmem:v27+s20+$0x0], $0xffff;
	v26 =	vand.u32 $0x1F, v22;
	v22 =	vshll.u32 v25, $0x7  }
0x1c8: {  	v63 =	vld.idx.msk [tilespmem:v59+s20+$0x0], $0xffff;
	[tilespmem:v57+s21+$0x0] =	vst.idx.msk $0xffff, v19;
	v57 =	vor.u32 v7, v32;
	v49 =	vor.u32 v0, v22  }
0x1c9: {  	v48 =	vor.u32 v8, v33;
	v20 =	vand.u32 $0x1F, v20;
	v24 =	vshll.u32 v26, $0x7;
	v40 =	vld.idx.msk [tilespmem:v21+s20+$0x0], $0xffff  }
0x1ca: {  	v52 =	vor.u32 v10, v35;
	v27 =	vshll.u32 v20, $0x7;
	v45 =	vor.u32 v0, v24  }
0x1cb: {  	[tilespmem:v56+s21+$0x0] =	vst.idx.msk $0xffff, v60;
	v56 =	vor.u32 v0, v27;
	v59 =	vld.idx.msk [tilespmem:v61+s20+$0x0], $0xffff;
	v60 =	vor.u32 v1, v18  }
0x1cc: {  	v43 =	vor.u32 v12, v35;
	v41 =	vld.idx.msk [tilespmem:v58+s20+$0x0], $0xffff;
	v58 =	vor.u32 v9, v34;
	[tilespmem:v55+s21+$0x0] =	vst.idx.msk $0xffff, v28  }
0x1cd: {  	v61 =	vor.u32 v2, v23;
	[tilespmem:v57+s21+$0x0] =	vst.idx.msk $0xffff, v63;
	v47 =	vld.idx.msk [tilespmem:v49+s20+$0x0], $0xffff;
	v57 =	vor.u32 v1, v25  }
0x1ce: {  	v16 =	vor.u32 v15, v32;
	v51 =	vld.idx.msk [tilespmem:v29+s20+$0x0], $0xffff;
	[tilespmem:v62+s21+$0x0] =	vst.idx.msk $0xffff, v40;
	v62 =	vor.u32 v11, v37  }
0x1cf: {  	v17 =	vor.u32 v15, v31;
	v35 =	vor.u32 v14, v35;
	v53 =	vor.u32 v1, v26;
	v45 =	vld.idx.msk [tilespmem:v45+s20+$0x0], $0xffff  }
0x1d0: {  	v39 =	vor.u32 v1, v20;
	v63 =	vor.u32 v2, v24;
	v42 =	vld.idx.msk [tilespmem:v56+s20+$0x0], $0xffff;
	[tilespmem:v60+s21+$0x0] =	vst.idx.msk $0xffff, v59  }
0x1d1: {  	v49 =	vor.u32 v9, v32;
	[tilespmem:v58+s21+$0x0] =	vst.idx.msk $0xffff, v41;
	v41 =	vld.idx.msk [tilespmem:v48+s20+$0x0], $0xffff;
	v48 =	vor.u32 v10, v30  }
0x1d2: {  	v60 =	vor.u32 v3, v18;
	v40 =	vld.idx.msk [tilespmem:v61+s20+$0x0], $0xffff;
	v61 =	vor.u32 v2, v22;
	[tilespmem:v57+s21+$0x0] =	vst.idx.msk $0xffff, v47  }
0x1d3: {  	v59 =	vor.u32 v11, v34;
	v58 =	vor.u32 v10, v33;
	v44 =	vld.idx.msk [tilespmem:v52+s20+$0x0], $0xffff;
	[tilespmem:v62+s21+$0x0] =	vst.idx.msk $0xffff, v51  }
0x1d4: {  	v55 =	vor.u32 v2, v27;
	v37 =	vor.u32 v13, v37;
	[tilespmem:v53+s21+$0x0] =	vst.idx.msk $0xffff, v45;
	v53 =	vld.idx.msk [tilespmem:v54+s20+$0x0], $0xffff  }
0x1d5: {  	v36 =	vor.u32 v14, v36;
	[tilespmem:v39+s21+$0x0] =	vst.idx.msk $0xffff, v42;
	v39 =	vld.idx.msk [tilespmem:v63+s20+$0x0], $0xffff;
	v63 =	vor.u32 v3, v26  }
0x1d6: {  	v57 =	vor.u32 v11, v31;
	v62 =	vor.u32 v4, v23;
	v48 =	vld.idx.msk [tilespmem:v48+s20+$0x0], $0xffff;
	[tilespmem:v49+s21+$0x0] =	vst.idx.msk $0xffff, v41  }
0x1d7: {  	v41 =	vor.u32 v4, v24;
	[tilespmem:v60+s21+$0x0] =	vst.idx.msk $0xffff, v40;
	v45 =	vld.idx.msk [tilespmem:v61+s20+$0x0], $0xffff;
	v61 =	vor.u32 v3, v25  }
0x1d8: {  	v19 =	vor.u32 v15, v26;
	v47 =	vld.idx.msk [tilespmem:v58+s20+$0x0], $0xffff;
	[tilespmem:v59+s21+$0x0] =	vst.idx.msk $0xffff, v44;
	v58 =	vor.u32 v11, v32  }
0x1d9: {  	v49 =	vld.idx.msk [tilespmem:v55+s20+$0x0], $0xffff;
	v60 =	vor.u32 v12, v30;
	v59 =	vor.u32 v3, v20;
	[tilespmem:v37+s21+$0x0] =	vst.idx.msk $0xffff, v53  }
0x1da: {  	v38 =	vor.u32 v5, v26;
	v52 =	vor.u32 v4, v27;
	v42 =	vld.idx.msk [tilespmem:v43+s20+$0x0], $0xffff;
	[tilespmem:v63+s21+$0x0] =	vst.idx.msk $0xffff, v39  }
0x1db: {  	v51 =	vld.idx.msk [tilespmem:v62+s20+$0x0], $0xffff;
	v62 =	vor.u32 v5, v18;
	v63 =	vor.u32 v4, v22;
	[tilespmem:v57+s21+$0x0] =	vst.idx.msk $0xffff, v48  }
0x1dc: {  	v43 =	vor.u32 v6, v23;
	v53 =	vor.u32 v13, v34;
	v41 =	vld.idx.msk [tilespmem:v41+s20+$0x0], $0xffff;
	[tilespmem:v61+s21+$0x0] =	vst.idx.msk $0xffff, v45  }
0x1dd: {  	v46 =	vor.u32 v7, v26;
	v21 =	vor.u32 v15, v25;
	v57 =	vld.idx.msk [tilespmem:v36+s20+$0x0], $0xffff;
	[tilespmem:v58+s21+$0x0] =	vst.idx.msk $0xffff, v47  }
0x1de: {  	v28 =	vor.u32 v15, v34;
	[tilespmem:v59+s21+$0x0] =	vst.idx.msk $0xffff, v49;
	v58 =	vor.u32 v6, v24;
	v59 =	vld.idx.msk [tilespmem:v60+s20+$0x0], $0xffff  }
0x1df: {  	v61 =	vor.u32 v13, v31;
	v31 =	vor.u32 v13, v32;
	v60 =	vor.u32 v12, v33;
	v52 =	vld.idx.msk [tilespmem:v52+s20+$0x0], $0xffff  }
0x1e0: {  	[tilespmem:v62+s21+$0x0] =	vst.idx.msk $0xffff, v51;
	v62 =	vor.u32 v5, v20;
	v32 =	vld.idx.msk [tilespmem:v63+s20+$0x0], $0xffff;
	v63 =	vor.u32 v14, v30  }
0x1e1: {  	v29 =	vor.u32 v14, v33;
	v33 =	vld.idx.msk [tilespmem:v43+s20+$0x0], $0xffff;
	v30 =	vor.u32 v6, v27;
	[tilespmem:v53+s21+$0x0] =	vst.idx.msk $0xffff, v42  }
0x1e2: {  	v34 =	vor.u32 v5, v25;
	v37 =	vor.u32 v10, v23;
	[tilespmem:v38+s21+$0x0] =	vst.idx.msk $0xffff, v41;
	v39 =	vld.idx.msk [tilespmem:v35+s20+$0x0], $0xffff  }
0x1e3: {  	v36 =	vor.u32 v7, v18;
	v45 =	vor.u32 v8, v23;
	[tilespmem:v50+s21+$0x0] =	vst.idx.msk $0xffff, v57;
	v44 =	vld.idx.msk [tilespmem:v58+s20+$0x0], $0xffff  }
0x1e4: {  	v47 =	vor.u32 v8, v24;
	v42 =	vor.u32 v7, v20;
	[tilespmem:v61+s21+$0x0] =	vst.idx.msk $0xffff, v59;
	v40 =	vld.idx.msk [tilespmem:v60+s20+$0x0], $0xffff  }
0x1e5: {  	s1 =	simm.s32 $0x8;
	v43 =	vor.u32 v8, v27;
	v41 =	vor.u32 v9, v18;
	[tilespmem:v62+s21+$0x0] =	vst.idx.msk $0xffff, v52;
	v38 =	vld.idx.msk [tilespmem:v63+s20+$0x0], $0xffff  }
.LBB2_9:
0x1e6: {  	v48 =	vadd.s32 s1, v0;
	s5 =	sadd.s32 $0x1, s1;
	v49 =	vld.idx.msk [tilespmem:v30+s20+$0x0], $0xffff;
	v50 =	vor.u32 v6, v22;
	v51 =	vmov v18  }
0x1e7: {  	s9 =	sadd.s32 $0x3, s1;
	[tilespmem:v34+s21+$0x0] =	vst.idx.msk $0xffff, v32;
	v52 =	vmovc v23;
	v35 =	vmovc v20;
	v30 =	vmov v26;
	v32 =	vmov v25;
	v34 =	vmov v27;
	s10 =	smov.u32 s1;
	s0 =	sadd.s32 $0x4, s1  }
0x1e8: {  	p1 =	slt.u32 s1, $0x1C;
	v18 =	vand.u32 $0x1F, v48;
	v20 =	vadd.s32 s5, v0;
	s5 =	sadd.s32 $0x2, s10;
	v25 =	vadd.s32 s9, v0;
	[tilespmem:v36+s21+$0x0] =	vst.idx.msk $0xffff, v33;
	v33 =	vmovc v24;
	v36 =	vmovc v22  }
0x1e9: {  	v23 =	vshll.u32 v18, $0x7;
	v20 =	vand.u32 $0x1F, v20;
	v22 =	vadd.s32 s5, v0;
	v45 =	vld.idx.msk [tilespmem:v45+s20+$0x0], $0xffff;
	[tilespmem:v28+s21+$0x0] =	vst.idx.msk $0xffff, v39;
	v39 =	vmovc v16  }
0x1ea: {  	v25 =	vand.u32 $0x1F, v25;
	v16 =	vmovc v21;
	v28 =	vor.u32 v0, v23;
	v26 =	vand.u32 $0x1F, v22;
	[tilespmem:v46+s21+$0x0] =	vst.idx.msk $0xffff, v44  }
0x1eb: {  	v27 =	vshll.u32 v20, $0x7;
	v22 =	vshll.u32 v25, $0x7;
	v24 =	vshll.u32 v26, $0x7;
	v44 =	vld.idx.msk [tilespmem:v47+s20+$0x0], $0xffff;
	[tilespmem:v31+s21+$0x0] =	vst.idx.msk $0xffff, v40  }
0x1ec: {  	v40 =	vor.u32 v9, v30;
	v31 =	vor.u32 v0, v24;
	[tilespmem:v17+s21+$0x0] =	vst.idx.msk $0xffff, v38;
	v29 =	vld.idx.msk [tilespmem:v29+s20+$0x0], $0xffff  }
0x1ed: {  	v21 =	vor.u32 v15, v25;
	v38 =	vor.u32 v15, v26;
	[tilespmem:v42+s21+$0x0] =	vst.idx.msk $0xffff, v49;
	v42 =	vld.idx.msk [tilespmem:v50+s20+$0x0], $0xffff  }
0x1ee: {  	v48 =	vor.u32 v7, v32;
	v46 =	vor.u32 v0, v27;
	v47 =	vor.u32 v9, v35;
	v43 =	vld.idx.msk [tilespmem:v43+s20+$0x0], $0xffff  }
0x1ef: {  	v17 =	vmov v19;
	v49 =	vor.u32 v0, v22;
	[tilespmem:v41+s21+$0x0] =	vst.idx.msk $0xffff, v45;
	v41 =	vor.u32 v8, v36  }
0x1f0: {  	v50 =	vor.u32 v15, v51;
	v19 =	vmov v38;
	v45 =	vld.idx.msk [tilespmem:v28+s20+$0x0], $0xffff;
	v28 =	vor.u32 v15, v35  }
0x1f1: {  	v53 =	vor.u32 v10, v34;
	v38 =	vor.u32 v1, v18;
	v37 =	vld.idx.msk [tilespmem:v37+s20+$0x0], $0xffff;
	[tilespmem:v40+s21+$0x0] =	vst.idx.msk $0xffff, v44  }
0x1f2: {  	v40 =	vor.u32 v2, v23;
	v44 =	vor.u32 v11, v51;
	v31 =	vld.idx.msk [tilespmem:v31+s20+$0x0], $0xffff;
	[tilespmem:v39+s21+$0x0] =	vst.idx.msk $0xffff, v29  }
0x1f3: {  	v54 =	vor.u32 v12, v52;
	v39 =	vld.idx.msk [tilespmem:v46+s20+$0x0], $0xffff;
	v46 =	vor.u32 v1, v26;
	[tilespmem:v48+s21+$0x0] =	vst.idx.msk $0xffff, v42  }
0x1f4: {  	v42 =	vor.u32 v1, v20;
	v48 =	vor.u32 v2, v24;
	[tilespmem:v47+s21+$0x0] =	vst.idx.msk $0xffff, v43;
	v41 =	vld.idx.msk [tilespmem:v41+s20+$0x0], $0xffff  }
0x1f5: {  	v29 =	vor.u32 v14, v36;
	v47 =	vor.u32 v10, v33;
	v43 =	vld.idx.msk [tilespmem:v49+s20+$0x0], $0xffff;
	v49 =	vor.u32 v9, v32  }
0x1f6: {  	[tilespmem:v38+s21+$0x0] =	vst.idx.msk $0xffff, v45;
	v38 =	vor.u32 v1, v25;
	v45 =	vld.idx.msk [tilespmem:v53+s20+$0x0], $0xffff;
	v53 =	vor.u32 v10, v36  }
0x1f7: {  	v55 =	vor.u32 v2, v27;
	v40 =	vld.idx.msk [tilespmem:v40+s20+$0x0], $0xffff;
	[tilespmem:v44+s21+$0x0] =	vst.idx.msk $0xffff, v37;
	v37 =	vor.u32 v11, v35  }
0x1f8: {  	v44 =	vor.u32 v3, v18;
	[tilespmem:v46+s21+$0x0] =	vst.idx.msk $0xffff, v31;
	v31 =	vor.u32 v2, v22;
	v46 =	vld.idx.msk [tilespmem:v54+s20+$0x0], $0xffff  }
0x1f9: {  	v54 =	vor.u32 v4, v23;
	[tilespmem:v42+s21+$0x0] =	vst.idx.msk $0xffff, v39;
	v39 =	vld.idx.msk [tilespmem:v48+s20+$0x0], $0xffff;
	v42 =	vor.u32 v13, v51  }
0x1fa: {  	v48 =	vor.u32 v3, v26;
	v51 =	vor.u32 v12, v34;
	v47 =	vld.idx.msk [tilespmem:v47+s20+$0x0], $0xffff;
	[tilespmem:v49+s21+$0x0] =	vst.idx.msk $0xffff, v41  }
0x1fb: {  	v41 =	vor.u32 v4, v24;
	[tilespmem:v38+s21+$0x0] =	vst.idx.msk $0xffff, v43;
	v38 =	vor.u32 v11, v30;
	v43 =	vld.idx.msk [tilespmem:v53+s20+$0x0], $0xffff  }
0x1fc: {  	v52 =	vor.u32 v14, v52;
	v49 =	vld.idx.msk [tilespmem:v55+s20+$0x0], $0xffff;
	[tilespmem:v37+s21+$0x0] =	vst.idx.msk $0xffff, v45;
	v37 =	vor.u32 v11, v32  }
0x1fd: {  	[tilespmem:v44+s21+$0x0] =	vst.idx.msk $0xffff, v40;
	v40 =	vor.u32 v3, v20;
	v31 =	vld.idx.msk [tilespmem:v31+s20+$0x0], $0xffff;
	v44 =	vor.u32 v12, v33  }
0x1fe: {  	v53 =	vor.u32 v4, v27;
	v45 =	vld.idx.msk [tilespmem:v54+s20+$0x0], $0xffff;
	v54 =	vor.u32 v3, v25;
	[tilespmem:v42+s21+$0x0] =	vst.idx.msk $0xffff, v46  }
0x1ff: {  	v42 =	vor.u32 v5, v18;
	[tilespmem:v48+s21+$0x0] =	vst.idx.msk $0xffff, v39;
	v39 =	vor.u32 v4, v22;
	v46 =	vld.idx.msk [tilespmem:v51+s20+$0x0], $0xffff  }
0x200: {  	v35 =	vor.u32 v13, v35;
	v48 =	vor.u32 v6, v23;
	v41 =	vld.idx.msk [tilespmem:v41+s20+$0x0], $0xffff;
	[tilespmem:v38+s21+$0x0] =	vst.idx.msk $0xffff, v47  }
0x201: {  	v51 =	vor.u32 v14, v34;
	v38 =	vor.u32 v5, v26;
	v47 =	vld.idx.msk [tilespmem:v52+s20+$0x0], $0xffff;
	[tilespmem:v37+s21+$0x0] =	vst.idx.msk $0xffff, v43  }
0x202: {  	[tilespmem:v40+s21+$0x0] =	vst.idx.msk $0xffff, v49;
	v40 =	vor.u32 v6, v24;
	v43 =	vld.idx.msk [tilespmem:v44+s20+$0x0], $0xffff;
	v49 =	vor.u32 v12, v36  }
0x203: {  	v52 =	vld.idx.msk [tilespmem:v53+s20+$0x0], $0xffff;
	[tilespmem:v54+s21+$0x0] =	vst.idx.msk $0xffff, v31;
	v53 =	vor.u32 v13, v30;
	v31 =	vor.u32 v13, v32  }
0x204: {  	v55 =	vor.u32 v14, v33;
	v54 =	vor.u32 v5, v20;
	[tilespmem:v42+s21+$0x0] =	vst.idx.msk $0xffff, v45;
	v32 =	vld.idx.msk [tilespmem:v39+s20+$0x0], $0xffff  }
.Ltmp5:
0x205: {  	v34 =	vor.u32 v5, v25;
	v30 =	vor.u32 v6, v27;
	v33 =	vld.idx.msk [tilespmem:v48+s20+$0x0], $0xffff;
	[tilespmem:v35+s21+$0x0] =	vst.idx.msk $0xffff, v46;
	(pc) =	sbr.rel @p1 .LBB2_9-.Ltmp5, $4  }
0x206: {  	v37 =	vor.u32 v10, v23;
	v36 =	vor.u32 v7, v18;
	[tilespmem:v38+s21+$0x0] =	vst.idx.msk $0xffff, v41;
	v39 =	vld.idx.msk [tilespmem:v51+s20+$0x0], $0xffff  }
0x207: {  	v45 =	vor.u32 v8, v23;
	v41 =	vor.u32 v9, v18;
	v44 =	vld.idx.msk [tilespmem:v40+s20+$0x0], $0xffff;
	[tilespmem:v50+s21+$0x0] =	vst.idx.msk $0xffff, v47  }
0x208: {  	v42 =	vor.u32 v7, v20;
	v46 =	vor.u32 v7, v26;
	[tilespmem:v53+s21+$0x0] =	vst.idx.msk $0xffff, v43;
	v40 =	vld.idx.msk [tilespmem:v49+s20+$0x0], $0xffff  }
0x209: {  	s1 =	smov.u32 s0;
	v47 =	vor.u32 v8, v24;
	v43 =	vor.u32 v8, v27;
	[tilespmem:v54+s21+$0x0] =	vst.idx.msk $0xffff, v52;
	v38 =	vld.idx.msk [tilespmem:v55+s20+$0x0], $0xffff  }
0x20a: {  	v35 =	vor.u32 v6, v22;
	_ =	sdelay $0x3  }
0x20b: {  	v30 =	vld.idx.msk [tilespmem:v30+s20+$0x0], $0xffff;
	[tilespmem:v34+s21+$0x0] =	vst.idx.msk $0xffff, v32  }
0x20c: {  	v52 =	vor.u32 v7, v25;
	v32 =	vld.idx.msk [tilespmem:v35+s20+$0x0], $0xffff  }
0x20d: {  	v53 =	vor.u32 v8, v22  }
0x20e: {  	[tilespmem:v36+s21+$0x0] =	vst.idx.msk $0xffff, v33  }
0x20f: {  	v33 =	vld.idx.msk [tilespmem:v45+s20+$0x0], $0xffff;
	[tilespmem:v46+s21+$0x0] =	vst.idx.msk $0xffff, v44  }
0x210: {  	v56 =	vor.u32 v9, v26;
	v55 =	vld.idx.msk [tilespmem:v47+s20+$0x0], $0xffff;
	[tilespmem:v42+s21+$0x0] =	vst.idx.msk $0xffff, v30  }
0x211: {  	v54 =	vor.u32 v9, v20;
	v58 =	vor.u32 v10, v24;
	v30 =	vld.idx.msk [tilespmem:v43+s20+$0x0], $0xffff;
	[tilespmem:v52+s21+$0x0] =	vst.idx.msk $0xffff, v32  }
0x212: {  	v57 =	vor.u32 v10, v27;
	v59 =	vor.u32 v9, v25;
	v32 =	vld.idx.msk [tilespmem:v53+s20+$0x0], $0xffff  }
0x213: {  	v60 =	vor.u32 v10, v22  }
0x214: {  	[tilespmem:v41+s21+$0x0] =	vst.idx.msk $0xffff, v33  }
0x215: {  	v61 =	vor.u32 v11, v18;
	v33 =	vld.idx.msk [tilespmem:v37+s20+$0x0], $0xffff;
	[tilespmem:v56+s21+$0x0] =	vst.idx.msk $0xffff, v55  }
0x216: {  	v62 =	vor.u32 v12, v23;
	v49 =	vor.u32 v11, v26;
	v34 =	vld.idx.msk [tilespmem:v58+s20+$0x0], $0xffff;
	[tilespmem:v54+s21+$0x0] =	vst.idx.msk $0xffff, v30  }
0x217: {  	v63 =	vor.u32 v11, v20;
	v51 =	vor.u32 v12, v24;
	v36 =	vld.idx.msk [tilespmem:v57+s20+$0x0], $0xffff;
	[tilespmem:v59+s21+$0x0] =	vst.idx.msk $0xffff, v32  }
0x218: {  	v48 =	vor.u32 v12, v27;
	v50 =	vor.u32 v11, v25;
	v35 =	vld.idx.msk [tilespmem:v60+s20+$0x0], $0xffff  }
0x219: {  	v52 =	vor.u32 v12, v22  }
0x21a: {  	[tilespmem:v61+s21+$0x0] =	vst.idx.msk $0xffff, v33  }
0x21b: {  	v53 =	vor.u32 v13, v18;
	v30 =	vld.idx.msk [tilespmem:v62+s20+$0x0], $0xffff;
	[tilespmem:v49+s21+$0x0] =	vst.idx.msk $0xffff, v34  }
0x21c: {  	v54 =	vor.u32 v14, v23;
	v57 =	vor.u32 v13, v26;
	v32 =	vld.idx.msk [tilespmem:v51+s20+$0x0], $0xffff;
	[tilespmem:v63+s21+$0x0] =	vst.idx.msk $0xffff, v36  }
0x21d: {  	v55 =	vor.u32 v13, v20;
	v59 =	vor.u32 v14, v24;
	v36 =	vld.idx.msk [tilespmem:v48+s20+$0x0], $0xffff;
	[tilespmem:v50+s21+$0x0] =	vst.idx.msk $0xffff, v35  }
0x21e: {  	[tilespmem:v28+s21+$0x0] =	vst.idx.msk $0xffff, v39;
	v56 =	vor.u32 v14, v27;
	v58 =	vor.u32 v13, v25;
	v60 =	vld.idx.msk [tilespmem:v52+s20+$0x0], $0xffff  }
0x21f: {  	[tilespmem:v31+s21+$0x0] =	vst.idx.msk $0xffff, v40;
	v61 =	vor.u32 v14, v22  }
0x220: {  	v29 =	vld.idx.msk [tilespmem:v29+s20+$0x0], $0xffff;
	[tilespmem:v53+s21+$0x0] =	vst.idx.msk $0xffff, v30  }
0x221: {  	v62 =	vor.u32 v15, v18;
	v23 =	vld.idx.msk [tilespmem:v54+s20+$0x0], $0xffff;
	[tilespmem:v57+s21+$0x0] =	vst.idx.msk $0xffff, v32  }
0x222: {  	v24 =	vld.idx.msk [tilespmem:v59+s20+$0x0], $0xffff;
	[tilespmem:v55+s21+$0x0] =	vst.idx.msk $0xffff, v36  }
0x223: {  	v63 =	vor.u32 v15, v20;
	v27 =	vld.idx.msk [tilespmem:v56+s20+$0x0], $0xffff;
	[tilespmem:v58+s21+$0x0] =	vst.idx.msk $0xffff, v60  }
0x224: {  	s28 =	sadd.s32 $0x1, s28;
	[tilespmem:v17+s21+$0x0] =	vst.idx.msk $0xffff, v38;
	v17 =	vld.idx.msk [tilespmem:v61+s20+$0x0], $0xffff  }
0x225: {  	p1 =	sne.s32 s28, $0x3D;
	[tilespmem:v16+s21+$0x0] =	vst.idx.msk $0xffff, v29  }
.Ltmp6:
0x226: {  	[tilespmem:v62+s21+$0x0] =	vst.idx.msk $0xffff, v23;
	(pc) =	sbr.rel @p1 .LBB2_2-.Ltmp6, $4  }
0x227: {  	[tilespmem:v19+s21+$0x0] =	vst.idx.msk $0xffff, v24  }
0x228: {  	s0 =	sshll.u32 s30, $0xE;
	[tilespmem:v63+s21+$0x0] =	vst.idx.msk $0xffff, v27  }
0x229: {  	s0 =	sadd.s32 s0, s6;
	[tilespmem:v21+s21+$0x0] =	vst.idx.msk $0xffff, v17  }
0x22a: {  	[hbm4b:s0+s3] =	stream.linear.scatter [tilespmem:s21], [sflag:$0x6], $0x1000, $0x38;
	[tilespmem:$0x6000] =	vst v63  }
0x22b: {  	_ =	swait.ge [sflag:s23], $0x1000  }
.Ltmp7:
0x22c: {  	[sflag:s23] =	ssyncset.done $0x0;
	(pc) =	sbr.rel @p0 .LBB2_15-.Ltmp7, $4  }
0x22d: {  	[sflag:s23] =	ssyncadd.s32 $0xFFFFF000  }
0x22e: {  	_ =	swait.ge [sflag:s25], $0x1000  }
0x22f: {  	[sflag:s25] =	ssyncset.done $0x0  }
0x230: {  	[sflag:s25] =	ssyncadd.s32 $0xFFFFF000  }
0x231: {  	s0 =	simm.s32 $0x0  }
0x232: {  	v16 =	vadd.s32 s0, v0  }
0x233: {  	s1 =	simm.s32 $0x2;
	v37 =	vand.u32 $0x1F, v16  }
0x234: {  	v16 =	vadd.s32 s1, v0;
	v36 =	vshll.u32 v37, $0x7  }
0x235: {  	s5 =	rddreg [dreg:$0x4];
	s9 =	simm.s32 $0x1;
	s10 =	simm.s32 $0x3;
	v31 =	vand.u32 $0x1F, v16;
	v17 =	vor.u32 v0, v36  }
0x236: {  	[tilespmem:s0], [sflag:$0x1] =	stream.strided.gather [hbm4b:s5+s13], $0x1000, s14, s13, $0x38;
	v16 =	vadd.s32 s9, v0;
	v30 =	vshll.u32 v31, $0x7;
	[tilespmem:$0x6000] =	vst v63  }
0x237: {  	v18 =	vadd.s32 s10, v0;
	_ =	swait.ge [sflag:s16], $0x1000;
	v34 =	vand.u32 $0x1F, v16;
	v16 =	vor.u32 v0, v30  }
0x238: {  	v32 =	vand.u32 $0x1F, v18;
	[sflag:s16] =	ssyncset.done $0x0;
	v35 =	vshll.u32 v34, $0x7  }
0x239: {  	v33 =	vshll.u32 v32, $0x7;
	[sflag:s16] =	ssyncadd.s32 $0xFFFFF000;
	v18 =	vor.u32 v0, v35  }
0x23a: {  	v20 =	vor.u32 v1, v37;
	v19 =	vor.u32 v0, v33;
	v17 =	vld.idx.msk [tilespmem:v17+s3+$0x0], $0xffff  }
0x23b: {  	v21 =	vor.u32 v2, v36  }
0x23c: {  	v22 =	vor.u32 v1, v31;
	v16 =	vld.idx.msk [tilespmem:v16+s3+$0x0], $0xffff  }
0x23d: {  	v23 =	vor.u32 v2, v30  }
0x23e: {  	v24 =	vor.u32 v1, v34;
	v18 =	vld.idx.msk [tilespmem:v18+s3+$0x0], $0xffff  }
0x23f: {  	v19 =	vld.idx.msk [tilespmem:v19+s3+$0x0], $0xffff;
	[tilespmem:v20+s18+$0x0] =	vst.idx.msk $0xffff, v17;
	v17 =	vor.u32 v1, v32;
	v20 =	vor.u32 v2, v35  }
0x240: {  	v25 =	vor.u32 v3, v37;
	v26 =	vor.u32 v2, v33;
	v21 =	vld.idx.msk [tilespmem:v21+s3+$0x0], $0xffff  }
0x241: {  	[tilespmem:v22+s18+$0x0] =	vst.idx.msk $0xffff, v16;
	v16 =	vor.u32 v4, v36  }
0x242: {  	v22 =	vld.idx.msk [tilespmem:v23+s3+$0x0], $0xffff;
	v23 =	vor.u32 v3, v31  }
0x243: {  	[tilespmem:v24+s18+$0x0] =	vst.idx.msk $0xffff, v18;
	v18 =	vor.u32 v4, v30  }
0x244: {  	[tilespmem:v17+s18+$0x0] =	vst.idx.msk $0xffff, v19;
	v17 =	vld.idx.msk [tilespmem:v20+s3+$0x0], $0xffff;
	v19 =	vor.u32 v3, v34  }
0x245: {  	v24 =	vor.u32 v3, v32;
	[tilespmem:v25+s18+$0x0] =	vst.idx.msk $0xffff, v21;
	v20 =	vld.idx.msk [tilespmem:v26+s3+$0x0], $0xffff;
	v21 =	vor.u32 v4, v35  }
0x246: {  	v26 =	vor.u32 v5, v37;
	v25 =	vld.idx.msk [tilespmem:v16+s3+$0x0], $0xffff  }
0x247: {  	[tilespmem:v23+s18+$0x0] =	vst.idx.msk $0xffff, v22;
	v22 =	vor.u32 v6, v36  }
0x248: {  	v27 =	vor.u32 v5, v31;
	v23 =	vor.u32 v4, v33;
	v18 =	vld.idx.msk [tilespmem:v18+s3+$0x0], $0xffff  }
0x249: {  	v38 =	vor.u32 v9, v37;
	v58 =	vor.u32 v7, v32;
	[tilespmem:v19+s18+$0x0] =	vst.idx.msk $0xffff, v17  }
0x24a: {  	v19 =	vor.u32 v6, v30;
	v21 =	vld.idx.msk [tilespmem:v21+s3+$0x0], $0xffff;
	[tilespmem:v24+s18+$0x0] =	vst.idx.msk $0xffff, v20;
	v20 =	vor.u32 v5, v34  }
0x24b: {  	v50 =	vor.u32 v15, v37;
	v24 =	vor.u32 v6, v35;
	[tilespmem:v26+s18+$0x0] =	vst.idx.msk $0xffff, v25  }
0x24c: {  	v62 =	vor.u32 v11, v37;
	v29 =	vor.u32 v10, v36;
	v26 =	vor.u32 v7, v37;
	v22 =	vld.idx.msk [tilespmem:v22+s3+$0x0], $0xffff  }
0x24d: {  	v25 =	vor.u32 v5, v32;
	v28 =	vld.idx.msk [tilespmem:v23+s3+$0x0], $0xffff;
	[tilespmem:v27+s18+$0x0] =	vst.idx.msk $0xffff, v18;
	v27 =	vor.u32 v8, v36  }
0x24e: {  	s28 =	simm.s32 $0x4;
	v40 =	vor.u32 v7, v31;
	v42 =	vor.u32 v6, v33;
	v46 =	vor.u32 v9, v31  }
0x24f: {  	v48 =	vor.u32 v8, v33;
	v18 =	vadd.s32 s28, v0;
	v19 =	vld.idx.msk [tilespmem:v19+s3+$0x0], $0xffff;
	[tilespmem:v20+s18+$0x0] =	vst.idx.msk $0xffff, v21  }
0x250: {  	s29 =	simm.s32 $0x5;
	v39 =	vor.u32 v7, v34;
	v18 =	vand.u32 $0x1F, v18;
	v21 =	vor.u32 v8, v30;
	v43 =	vld.idx.msk [tilespmem:v24+s3+$0x0], $0xffff  }
0x251: {  	s31 =	simm.s32 $0x6;
	v41 =	vor.u32 v8, v35;
	v23 =	vshll.u32 v18, $0x7;
	v20 =	vadd.s32 s29, v0;
	[tilespmem:v26+s18+$0x0] =	vst.idx.msk $0xffff, v22  }
0x252: {  	s30 =	simm.s32 $0x7;
	v44 =	vor.u32 v0, v23;
	v20 =	vand.u32 $0x1F, v20;
	[tilespmem:v25+s18+$0x0] =	vst.idx.msk $0xffff, v28;
	v22 =	vadd.s32 s31, v0;
	v28 =	vld.idx.msk [tilespmem:v27+s3+$0x0], $0xffff  }
0x253: {  	v24 =	vadd.s32 s30, v0;
	v26 =	vand.u32 $0x1F, v22;
	v27 =	vshll.u32 v20, $0x7  }
0x254: {  	v25 =	vand.u32 $0x1F, v24;
	v63 =	vld.idx.msk [tilespmem:v42+s3+$0x0], $0xffff;
	[tilespmem:v40+s18+$0x0] =	vst.idx.msk $0xffff, v19;
	v24 =	vshll.u32 v26, $0x7;
	v57 =	vor.u32 v0, v27  }
0x255: {  	v54 =	vor.u32 v12, v36;
	v40 =	vld.idx.msk [tilespmem:v21+s3+$0x0], $0xffff;
	v45 =	vor.u32 v0, v24;
	[tilespmem:v39+s18+$0x0] =	vst.idx.msk $0xffff, v43  }
0x256: {  	v47 =	vor.u32 v9, v34;
	v52 =	vor.u32 v10, v35;
	v22 =	vshll.u32 v25, $0x7;
	v41 =	vld.idx.msk [tilespmem:v41+s3+$0x0], $0xffff  }
0x257: {  	v60 =	vor.u32 v1, v18;
	v49 =	vor.u32 v0, v22;
	v59 =	vld.idx.msk [tilespmem:v44+s3+$0x0], $0xffff;
	[tilespmem:v38+s18+$0x0] =	vst.idx.msk $0xffff, v28  }
0x258: {  	v16 =	vor.u32 v15, v32;
	v17 =	vor.u32 v15, v31;
	v61 =	vor.u32 v2, v23;
	v51 =	vld.idx.msk [tilespmem:v29+s3+$0x0], $0xffff  }
0x259: {  	v37 =	vor.u32 v13, v37;
	v36 =	vor.u32 v14, v36;
	v19 =	vor.u32 v15, v26;
	v42 =	vld.idx.msk [tilespmem:v57+s3+$0x0], $0xffff  }
0x25a: {  	v53 =	vor.u32 v1, v26;
	v55 =	vor.u32 v2, v27;
	[tilespmem:v58+s18+$0x0] =	vst.idx.msk $0xffff, v63;
	v45 =	vld.idx.msk [tilespmem:v45+s3+$0x0], $0xffff  }
0x25b: {  	v39 =	vor.u32 v1, v20;
	v63 =	vor.u32 v2, v24;
	[tilespmem:v47+s18+$0x0] =	vst.idx.msk $0xffff, v41;
	v41 =	vld.idx.msk [tilespmem:v48+s3+$0x0], $0xffff  }
0x25c: {  	[tilespmem:v60+s18+$0x0] =	vst.idx.msk $0xffff, v59;
	v47 =	vld.idx.msk [tilespmem:v49+s3+$0x0], $0xffff;
	v48 =	vor.u32 v10, v30;
	v49 =	vor.u32 v9, v32  }
0x25d: {  	v21 =	vor.u32 v15, v25;
	v57 =	vor.u32 v1, v25;
	[tilespmem:v46+s18+$0x0] =	vst.idx.msk $0xffff, v40;
	v40 =	vld.idx.msk [tilespmem:v61+s3+$0x0], $0xffff  }
0x25e: {  	v58 =	vor.u32 v10, v33;
	v60 =	vor.u32 v3, v18;
	v44 =	vld.idx.msk [tilespmem:v52+s3+$0x0], $0xffff;
	[tilespmem:v62+s18+$0x0] =	vst.idx.msk $0xffff, v51  }
0x25f: {  	v59 =	vor.u32 v11, v34;
	v61 =	vor.u32 v2, v22;
	[tilespmem:v53+s18+$0x0] =	vst.idx.msk $0xffff, v45;
	v53 =	vld.idx.msk [tilespmem:v54+s3+$0x0], $0xffff  }
0x260: {  	v43 =	vor.u32 v12, v35;
	v62 =	vor.u32 v4, v23;
	[tilespmem:v39+s18+$0x0] =	vst.idx.msk $0xffff, v42;
	v39 =	vld.idx.msk [tilespmem:v63+s3+$0x0], $0xffff  }
0x261: {  	v35 =	vor.u32 v14, v35;
	v63 =	vor.u32 v3, v26;
	v48 =	vld.idx.msk [tilespmem:v48+s3+$0x0], $0xffff;
	[tilespmem:v49+s18+$0x0] =	vst.idx.msk $0xffff, v41  }
0x262: {  	v41 =	vor.u32 v4, v24;
	[tilespmem:v57+s18+$0x0] =	vst.idx.msk $0xffff, v47;
	v57 =	vor.u32 v11, v31;
	v49 =	vld.idx.msk [tilespmem:v55+s3+$0x0], $0xffff  }
0x263: {  	v28 =	vor.u32 v15, v34;
	[tilespmem:v60+s18+$0x0] =	vst.idx.msk $0xffff, v40;
	v47 =	vld.idx.msk [tilespmem:v58+s3+$0x0], $0xffff;
	v58 =	vor.u32 v11, v32  }
0x264: {  	v60 =	vor.u32 v12, v30;
	[tilespmem:v59+s18+$0x0] =	vst.idx.msk $0xffff, v44;
	v59 =	vor.u32 v3, v20;
	v45 =	vld.idx.msk [tilespmem:v61+s3+$0x0], $0xffff  }
0x265: {  	v52 =	vor.u32 v4, v27;
	v61 =	vor.u32 v3, v25;
	v51 =	vld.idx.msk [tilespmem:v62+s3+$0x0], $0xffff;
	[tilespmem:v37+s18+$0x0] =	vst.idx.msk $0xffff, v53  }
0x266: {  	v62 =	vor.u32 v5, v18;
	v42 =	vld.idx.msk [tilespmem:v43+s3+$0x0], $0xffff;
	[tilespmem:v63+s18+$0x0] =	vst.idx.msk $0xffff, v39;
	v63 =	vor.u32 v4, v22  }
0x267: {  	v43 =	vor.u32 v6, v23;
	v53 =	vor.u32 v13, v34;
	v41 =	vld.idx.msk [tilespmem:v41+s3+$0x0], $0xffff;
	[tilespmem:v57+s18+$0x0] =	vst.idx.msk $0xffff, v48  }
0x268: {  	v38 =	vor.u32 v5, v26;
	v29 =	vor.u32 v14, v33;
	v57 =	vld.idx.msk [tilespmem:v36+s3+$0x0], $0xffff;
	[tilespmem:v58+s18+$0x0] =	vst.idx.msk $0xffff, v47  }
0x269: {  	[tilespmem:v59+s18+$0x0] =	vst.idx.msk $0xffff, v49;
	v58 =	vor.u32 v6, v24;
	v59 =	vld.idx.msk [tilespmem:v60+s3+$0x0], $0xffff;
	v60 =	vor.u32 v12, v33  }
0x26a: {  	[tilespmem:v61+s18+$0x0] =	vst.idx.msk $0xffff, v45;
	v61 =	vor.u32 v13, v31;
	v31 =	vor.u32 v13, v32;
	v52 =	vld.idx.msk [tilespmem:v52+s3+$0x0], $0xffff  }
0x26b: {  	[tilespmem:v62+s18+$0x0] =	vst.idx.msk $0xffff, v51;
	v62 =	vor.u32 v5, v20;
	v32 =	vld.idx.msk [tilespmem:v63+s3+$0x0], $0xffff;
	v63 =	vor.u32 v14, v30  }
0x26c: {  	v46 =	vor.u32 v7, v26;
	v33 =	vld.idx.msk [tilespmem:v43+s3+$0x0], $0xffff;
	[tilespmem:v53+s18+$0x0] =	vst.idx.msk $0xffff, v42;
	v30 =	vor.u32 v6, v27  }
0x26d: {  	v34 =	vor.u32 v5, v25;
	v37 =	vor.u32 v10, v23;
	v39 =	vld.idx.msk [tilespmem:v35+s3+$0x0], $0xffff;
	[tilespmem:v38+s18+$0x0] =	vst.idx.msk $0xffff, v41  }
0x26e: {  	v36 =	vor.u32 v7, v18;
	v45 =	vor.u32 v8, v23;
	[tilespmem:v50+s18+$0x0] =	vst.idx.msk $0xffff, v57;
	v44 =	vld.idx.msk [tilespmem:v58+s3+$0x0], $0xffff  }
0x26f: {  	v47 =	vor.u32 v8, v24;
	v42 =	vor.u32 v7, v20;
	[tilespmem:v61+s18+$0x0] =	vst.idx.msk $0xffff, v59;
	v40 =	vld.idx.msk [tilespmem:v60+s3+$0x0], $0xffff  }
0x270: {  	s1 =	simm.s32 $0x8;
	v43 =	vor.u32 v8, v27;
	v41 =	vor.u32 v9, v18;
	[tilespmem:v62+s18+$0x0] =	vst.idx.msk $0xffff, v52;
	v38 =	vld.idx.msk [tilespmem:v63+s3+$0x0], $0xffff  }
.LBB2_13:
0x271: {  	v48 =	vadd.s32 s1, v0;
	s5 =	sadd.s32 $0x1, s1;
	v49 =	vld.idx.msk [tilespmem:v30+s3+$0x0], $0xffff;
	v50 =	vor.u32 v6, v22;
	v51 =	vmov v18  }
0x272: {  	s9 =	sadd.s32 $0x3, s1;
	[tilespmem:v34+s18+$0x0] =	vst.idx.msk $0xffff, v32;
	v52 =	vmovc v23;
	v35 =	vmovc v20;
	v30 =	vmov v26;
	v32 =	vmov v25;
	v34 =	vmov v27;
	s10 =	smov.u32 s1;
	s0 =	sadd.s32 $0x4, s1  }
0x273: {  	p1 =	slt.u32 s1, $0x1C;
	v18 =	vand.u32 $0x1F, v48;
	v20 =	vadd.s32 s5, v0;
	s5 =	sadd.s32 $0x2, s10;
	v25 =	vadd.s32 s9, v0;
	[tilespmem:v36+s18+$0x0] =	vst.idx.msk $0xffff, v33;
	v33 =	vmovc v24;
	v36 =	vmovc v22  }
0x274: {  	v23 =	vshll.u32 v18, $0x7;
	v20 =	vand.u32 $0x1F, v20;
	v22 =	vadd.s32 s5, v0;
	v45 =	vld.idx.msk [tilespmem:v45+s3+$0x0], $0xffff;
	[tilespmem:v28+s18+$0x0] =	vst.idx.msk $0xffff, v39;
	v39 =	vmovc v16  }
0x275: {  	v25 =	vand.u32 $0x1F, v25;
	v16 =	vmovc v21;
	v28 =	vor.u32 v0, v23;
	v26 =	vand.u32 $0x1F, v22;
	[tilespmem:v46+s18+$0x0] =	vst.idx.msk $0xffff, v44  }
0x276: {  	v27 =	vshll.u32 v20, $0x7;
	v22 =	vshll.u32 v25, $0x7;
	v24 =	vshll.u32 v26, $0x7;
	v44 =	vld.idx.msk [tilespmem:v47+s3+$0x0], $0xffff;
	[tilespmem:v31+s18+$0x0] =	vst.idx.msk $0xffff, v40  }
0x277: {  	v40 =	vor.u32 v9, v30;
	v31 =	vor.u32 v0, v24;
	[tilespmem:v17+s18+$0x0] =	vst.idx.msk $0xffff, v38;
	v29 =	vld.idx.msk [tilespmem:v29+s3+$0x0], $0xffff  }
0x278: {  	v21 =	vor.u32 v15, v25;
	v38 =	vor.u32 v15, v26;
	[tilespmem:v42+s18+$0x0] =	vst.idx.msk $0xffff, v49;
	v42 =	vld.idx.msk [tilespmem:v50+s3+$0x0], $0xffff  }
0x279: {  	v48 =	vor.u32 v7, v32;
	v46 =	vor.u32 v0, v27;
	v47 =	vor.u32 v9, v35;
	v43 =	vld.idx.msk [tilespmem:v43+s3+$0x0], $0xffff  }
0x27a: {  	v17 =	vmov v19;
	v49 =	vor.u32 v0, v22;
	[tilespmem:v41+s18+$0x0] =	vst.idx.msk $0xffff, v45;
	v41 =	vor.u32 v8, v36  }
0x27b: {  	v50 =	vor.u32 v15, v51;
	v19 =	vmov v38;
	v45 =	vld.idx.msk [tilespmem:v28+s3+$0x0], $0xffff;
	v28 =	vor.u32 v15, v35  }
0x27c: {  	v53 =	vor.u32 v10, v34;
	v38 =	vor.u32 v1, v18;
	v37 =	vld.idx.msk [tilespmem:v37+s3+$0x0], $0xffff;
	[tilespmem:v40+s18+$0x0] =	vst.idx.msk $0xffff, v44  }
0x27d: {  	v40 =	vor.u32 v2, v23;
	v44 =	vor.u32 v11, v51;
	v31 =	vld.idx.msk [tilespmem:v31+s3+$0x0], $0xffff;
	[tilespmem:v39+s18+$0x0] =	vst.idx.msk $0xffff, v29  }
0x27e: {  	v54 =	vor.u32 v12, v52;
	v39 =	vld.idx.msk [tilespmem:v46+s3+$0x0], $0xffff;
	v46 =	vor.u32 v1, v26;
	[tilespmem:v48+s18+$0x0] =	vst.idx.msk $0xffff, v42  }
0x27f: {  	v42 =	vor.u32 v1, v20;
	v48 =	vor.u32 v2, v24;
	[tilespmem:v47+s18+$0x0] =	vst.idx.msk $0xffff, v43;
	v41 =	vld.idx.msk [tilespmem:v41+s3+$0x0], $0xffff  }
0x280: {  	v29 =	vor.u32 v14, v36;
	v47 =	vor.u32 v10, v33;
	v43 =	vld.idx.msk [tilespmem:v49+s3+$0x0], $0xffff;
	v49 =	vor.u32 v9, v32  }
0x281: {  	[tilespmem:v38+s18+$0x0] =	vst.idx.msk $0xffff, v45;
	v38 =	vor.u32 v1, v25;
	v45 =	vld.idx.msk [tilespmem:v53+s3+$0x0], $0xffff;
	v53 =	vor.u32 v10, v36  }
0x282: {  	v55 =	vor.u32 v2, v27;
	v40 =	vld.idx.msk [tilespmem:v40+s3+$0x0], $0xffff;
	[tilespmem:v44+s18+$0x0] =	vst.idx.msk $0xffff, v37;
	v37 =	vor.u32 v11, v35  }
0x283: {  	v44 =	vor.u32 v3, v18;
	[tilespmem:v46+s18+$0x0] =	vst.idx.msk $0xffff, v31;
	v31 =	vor.u32 v2, v22;
	v46 =	vld.idx.msk [tilespmem:v54+s3+$0x0], $0xffff  }
0x284: {  	v54 =	vor.u32 v4, v23;
	[tilespmem:v42+s18+$0x0] =	vst.idx.msk $0xffff, v39;
	v39 =	vld.idx.msk [tilespmem:v48+s3+$0x0], $0xffff;
	v42 =	vor.u32 v13, v51  }
0x285: {  	v48 =	vor.u32 v3, v26;
	v51 =	vor.u32 v12, v34;
	v47 =	vld.idx.msk [tilespmem:v47+s3+$0x0], $0xffff;
	[tilespmem:v49+s18+$0x0] =	vst.idx.msk $0xffff, v41  }
0x286: {  	v41 =	vor.u32 v4, v24;
	[tilespmem:v38+s18+$0x0] =	vst.idx.msk $0xffff, v43;
	v38 =	vor.u32 v11, v30;
	v43 =	vld.idx.msk [tilespmem:v53+s3+$0x0], $0xffff  }
0x287: {  	v52 =	vor.u32 v14, v52;
	v49 =	vld.idx.msk [tilespmem:v55+s3+$0x0], $0xffff;
	[tilespmem:v37+s18+$0x0] =	vst.idx.msk $0xffff, v45;
	v37 =	vor.u32 v11, v32  }
0x288: {  	[tilespmem:v44+s18+$0x0] =	vst.idx.msk $0xffff, v40;
	v40 =	vor.u32 v3, v20;
	v31 =	vld.idx.msk [tilespmem:v31+s3+$0x0], $0xffff;
	v44 =	vor.u32 v12, v33  }
0x289: {  	v53 =	vor.u32 v4, v27;
	v45 =	vld.idx.msk [tilespmem:v54+s3+$0x0], $0xffff;
	v54 =	vor.u32 v3, v25;
	[tilespmem:v42+s18+$0x0] =	vst.idx.msk $0xffff, v46  }
0x28a: {  	v42 =	vor.u32 v5, v18;
	[tilespmem:v48+s18+$0x0] =	vst.idx.msk $0xffff, v39;
	v39 =	vor.u32 v4, v22;
	v46 =	vld.idx.msk [tilespmem:v51+s3+$0x0], $0xffff  }
0x28b: {  	v35 =	vor.u32 v13, v35;
	v48 =	vor.u32 v6, v23;
	v41 =	vld.idx.msk [tilespmem:v41+s3+$0x0], $0xffff;
	[tilespmem:v38+s18+$0x0] =	vst.idx.msk $0xffff, v47  }
0x28c: {  	v51 =	vor.u32 v14, v34;
	v38 =	vor.u32 v5, v26;
	v47 =	vld.idx.msk [tilespmem:v52+s3+$0x0], $0xffff;
	[tilespmem:v37+s18+$0x0] =	vst.idx.msk $0xffff, v43  }
0x28d: {  	[tilespmem:v40+s18+$0x0] =	vst.idx.msk $0xffff, v49;
	v40 =	vor.u32 v6, v24;
	v43 =	vld.idx.msk [tilespmem:v44+s3+$0x0], $0xffff;
	v49 =	vor.u32 v12, v36  }
0x28e: {  	v52 =	vld.idx.msk [tilespmem:v53+s3+$0x0], $0xffff;
	[tilespmem:v54+s18+$0x0] =	vst.idx.msk $0xffff, v31;
	v53 =	vor.u32 v13, v30;
	v31 =	vor.u32 v13, v32  }
0x28f: {  	v55 =	vor.u32 v14, v33;
	v54 =	vor.u32 v5, v20;
	[tilespmem:v42+s18+$0x0] =	vst.idx.msk $0xffff, v45;
	v32 =	vld.idx.msk [tilespmem:v39+s3+$0x0], $0xffff  }
.Ltmp8:
0x290: {  	v34 =	vor.u32 v5, v25;
	v30 =	vor.u32 v6, v27;
	v33 =	vld.idx.msk [tilespmem:v48+s3+$0x0], $0xffff;
	[tilespmem:v35+s18+$0x0] =	vst.idx.msk $0xffff, v46;
	(pc) =	sbr.rel @p1 .LBB2_13-.Ltmp8, $4  }
0x291: {  	v37 =	vor.u32 v10, v23;
	v36 =	vor.u32 v7, v18;
	[tilespmem:v38+s18+$0x0] =	vst.idx.msk $0xffff, v41;
	v39 =	vld.idx.msk [tilespmem:v51+s3+$0x0], $0xffff  }
0x292: {  	v45 =	vor.u32 v8, v23;
	v41 =	vor.u32 v9, v18;
	v44 =	vld.idx.msk [tilespmem:v40+s3+$0x0], $0xffff;
	[tilespmem:v50+s18+$0x0] =	vst.idx.msk $0xffff, v47  }
0x293: {  	v42 =	vor.u32 v7, v20;
	v46 =	vor.u32 v7, v26;
	[tilespmem:v53+s18+$0x0] =	vst.idx.msk $0xffff, v43;
	v40 =	vld.idx.msk [tilespmem:v49+s3+$0x0], $0xffff  }
0x294: {  	s1 =	smov.u32 s0;
	v47 =	vor.u32 v8, v24;
	v43 =	vor.u32 v8, v27;
	[tilespmem:v54+s18+$0x0] =	vst.idx.msk $0xffff, v52;
	v38 =	vld.idx.msk [tilespmem:v55+s3+$0x0], $0xffff  }
0x295: {  	v35 =	vor.u32 v6, v22;
	_ =	sdelay $0x3  }
0x296: {  	v30 =	vld.idx.msk [tilespmem:v30+s3+$0x0], $0xffff;
	[tilespmem:v34+s18+$0x0] =	vst.idx.msk $0xffff, v32  }
0x297: {  	v52 =	vor.u32 v7, v25;
	v32 =	vld.idx.msk [tilespmem:v35+s3+$0x0], $0xffff  }
0x298: {  	v53 =	vor.u32 v8, v22  }
0x299: {  	[tilespmem:v36+s18+$0x0] =	vst.idx.msk $0xffff, v33  }
0x29a: {  	v33 =	vld.idx.msk [tilespmem:v45+s3+$0x0], $0xffff;
	[tilespmem:v46+s18+$0x0] =	vst.idx.msk $0xffff, v44  }
0x29b: {  	v56 =	vor.u32 v9, v26;
	v55 =	vld.idx.msk [tilespmem:v47+s3+$0x0], $0xffff;
	[tilespmem:v42+s18+$0x0] =	vst.idx.msk $0xffff, v30  }
0x29c: {  	v54 =	vor.u32 v9, v20;
	v58 =	vor.u32 v10, v24;
	v30 =	vld.idx.msk [tilespmem:v43+s3+$0x0], $0xffff;
	[tilespmem:v52+s18+$0x0] =	vst.idx.msk $0xffff, v32  }
0x29d: {  	v57 =	vor.u32 v10, v27;
	v59 =	vor.u32 v9, v25;
	v32 =	vld.idx.msk [tilespmem:v53+s3+$0x0], $0xffff  }
0x29e: {  	v60 =	vor.u32 v10, v22  }
0x29f: {  	[tilespmem:v41+s18+$0x0] =	vst.idx.msk $0xffff, v33  }
0x2a0: {  	v61 =	vor.u32 v11, v18;
	v33 =	vld.idx.msk [tilespmem:v37+s3+$0x0], $0xffff;
	[tilespmem:v56+s18+$0x0] =	vst.idx.msk $0xffff, v55  }
0x2a1: {  	v62 =	vor.u32 v12, v23;
	v49 =	vor.u32 v11, v26;
	v34 =	vld.idx.msk [tilespmem:v58+s3+$0x0], $0xffff;
	[tilespmem:v54+s18+$0x0] =	vst.idx.msk $0xffff, v30  }
0x2a2: {  	v63 =	vor.u32 v11, v20;
	v51 =	vor.u32 v12, v24;
	v36 =	vld.idx.msk [tilespmem:v57+s3+$0x0], $0xffff;
	[tilespmem:v59+s18+$0x0] =	vst.idx.msk $0xffff, v32  }
0x2a3: {  	v48 =	vor.u32 v12, v27;
	v50 =	vor.u32 v11, v25;
	v35 =	vld.idx.msk [tilespmem:v60+s3+$0x0], $0xffff  }
0x2a4: {  	v52 =	vor.u32 v12, v22  }
0x2a5: {  	[tilespmem:v61+s18+$0x0] =	vst.idx.msk $0xffff, v33  }
0x2a6: {  	v53 =	vor.u32 v13, v18;
	v30 =	vld.idx.msk [tilespmem:v62+s3+$0x0], $0xffff;
	[tilespmem:v49+s18+$0x0] =	vst.idx.msk $0xffff, v34  }
0x2a7: {  	v54 =	vor.u32 v14, v23;
	v57 =	vor.u32 v13, v26;
	v32 =	vld.idx.msk [tilespmem:v51+s3+$0x0], $0xffff;
	[tilespmem:v63+s18+$0x0] =	vst.idx.msk $0xffff, v36  }
0x2a8: {  	v55 =	vor.u32 v13, v20;
	v59 =	vor.u32 v14, v24;
	v36 =	vld.idx.msk [tilespmem:v48+s3+$0x0], $0xffff;
	[tilespmem:v50+s18+$0x0] =	vst.idx.msk $0xffff, v35  }
0x2a9: {  	[tilespmem:v28+s18+$0x0] =	vst.idx.msk $0xffff, v39;
	v56 =	vor.u32 v14, v27;
	v58 =	vor.u32 v13, v25;
	v60 =	vld.idx.msk [tilespmem:v52+s3+$0x0], $0xffff  }
0x2aa: {  	[tilespmem:v31+s18+$0x0] =	vst.idx.msk $0xffff, v40;
	v61 =	vor.u32 v14, v22  }
0x2ab: {  	v29 =	vld.idx.msk [tilespmem:v29+s3+$0x0], $0xffff;
	[tilespmem:v53+s18+$0x0] =	vst.idx.msk $0xffff, v30  }
0x2ac: {  	v62 =	vor.u32 v15, v18;
	v23 =	vld.idx.msk [tilespmem:v54+s3+$0x0], $0xffff;
	[tilespmem:v57+s18+$0x0] =	vst.idx.msk $0xffff, v32  }
0x2ad: {  	v24 =	vld.idx.msk [tilespmem:v59+s3+$0x0], $0xffff;
	[tilespmem:v55+s18+$0x0] =	vst.idx.msk $0xffff, v36  }
0x2ae: {  	v63 =	vor.u32 v15, v20;
	v27 =	vld.idx.msk [tilespmem:v56+s3+$0x0], $0xffff;
	[tilespmem:v58+s18+$0x0] =	vst.idx.msk $0xffff, v60  }
0x2af: {  	[tilespmem:v17+s18+$0x0] =	vst.idx.msk $0xffff, v38;
	v17 =	vld.idx.msk [tilespmem:v61+s3+$0x0], $0xffff  }
0x2b0: {  	[tilespmem:v16+s18+$0x0] =	vst.idx.msk $0xffff, v29  }
0x2b1: {  	[tilespmem:v62+s18+$0x0] =	vst.idx.msk $0xffff, v23  }
0x2b2: {  	[tilespmem:v19+s18+$0x0] =	vst.idx.msk $0xffff, v24  }
0x2b3: {  	[tilespmem:v63+s18+$0x0] =	vst.idx.msk $0xffff, v27  }
0x2b4: {  	[tilespmem:v21+s18+$0x0] =	vst.idx.msk $0xffff, v17  }
.Ltmp9:
0x2b5: {  	s0 =	rddreg [dreg:$0x5];
	(pc) =	sbr.rel .LBB2_15-.Ltmp9, $4  }
0x2b6: {  	[hbm4b:s0+s3] =	stream.linear.scatter [tilespmem:s18], [sflag:$0x5], $0x1000, $0x38;
	[tilespmem:$0x6000] =	vst v63  }
0x2b7: {  	_ =	swait.ge [sflag:s23], $0x1000  }
0x2b8: {  	[sflag:s23] =	ssyncset.done $0x0  }
0x2b9: {  	[sflag:s23] =	ssyncadd.s32 $0xFFFFF000  }
.LBB2_16:
0x2ba: {  	_ =	sfence.sel $0x180000  }
0x2bb: {  	[bflag:$0x0] =	sbarrier.arrive $0xFFFF  }
0x2bc: {  	_ =	strace $0x90000047  }
0x2bd: {  	s0 =	stileid.u32;
	[bflag:$0x2] =	sbarrier.arrive $0xFFFF  }
0x2be: {  	p0 =	sne.s32 s0, $0x0;
	s0 =	rddreg [dreg:$0x2]  }
0x2bf: {  	s0 =	sadd.s32 @!p0 $0x100000, s0  }
0x2c0: {  	[sflag:s0] =	ssyncadd.tile.s32 @!p0 $0x1;
	_ =	shalt  }
.Lfunc_end2:
_tile_overlayer_lowered:
.L_overlay_start_2:
0x2c1: {  	(tag) =	ssettag $0x2  }
0x2c2: {  	s0 =	rddreg [dreg:$0x0];
	s2 =	stileid.u32  }
0x2c3: {  	s1 =	rddreg [dreg:$0x1];
	p0 =	sne.s32 s2, $0x0  }
0x2c4: {  	s3 =	rddreg [dreg:$0x2];
	[bflag:$0x3] =	sbarrier.arrive $0xFFFF;
	s2 =	simm.s32 @!p0 $0x1C07  }
0x2c5: {  	[timem:s3], [sflag:s2] =	dma.local @!p0 [hbm:s0], s1  }
0x2c6: {  	s0 =	simm.s32 @!p0 $0x7  }
0x2c7: {  	_ =	swait.ge @!p0 [sflag:s0], s1  }
0x2c8: {  	s1 =	ssub.s32 @!p0 $0x0, s1;
	[sflag:s0] =	ssyncset.done @!p0 $0x0  }
0x2c9: {  	[sflag:s0] =	ssyncadd.s32 @!p0 s1  }
0x2ca: {  	[bflag:$0x3] =	sbarrier.arrive $0xFFFF  }
0x2cb: {  	_ =	shalt  }

</sc_bundles>
